<compile_context>
chip_gen: v7x
topology: tpu7x:2x2x1
jax: 0.10.2.dev20260603
libtpu: 0.0.44.dev20260713+nightly
codegen_flags: <defaults>
</compile_context>

<pallas_src>
import functools

import jax
import jax.numpy as jnp
from jax import lax
from jax.experimental import pallas as pl
from jax.experimental.pallas import tpu as pltpu
from jax.experimental.pallas import tpu_sc as plsc

N_NODES = 10000
N_EDGES = 320000
H = 128

NC = 2
NS = 16
NW = NC * NS
EPW = N_EDGES // NW
CHUNK = 80
NCHUNK = EPW // CHUNK
NBUF = 3
NGROUP = (NCHUNK + NBUF - 1) // NBUF
NPT = 632
NPT_LAST = N_NODES - 15 * NPT

_mesh = plsc.VectorSubcoreMesh(core_axis_name="c", subcore_axis_name="s")


@functools.partial(
    pl.kernel,
    mesh=_mesh,
    out_type=jax.ShapeDtypeStruct((NC, N_NODES, H), jnp.float32),
    scratch_types=[
        pltpu.VMEM((NCHUNK, CHUNK), jnp.int32),
        pltpu.VMEM((NBUF, CHUNK, H), jnp.float32),
    ] + [pltpu.SemaphoreType.DMA] * (NBUF + 1) + [
        pltpu.VMEM_SHARED((N_NODES, H), jnp.float32),
    ],
)
def _sc_segment_sum(row_hbm, attr_hbm, out_hbm, idx_v, rows_v,
                    s0, s1, s2, si, acc_sh):
    c = lax.axis_index("c")
    s = lax.axis_index("s")
    wid = c * NS + s
    sems = (s0, s1, s2)

    ebase = wid * EPW

    pltpu.async_copy(row_hbm.at[0, wid], idx_v, si)
    for b in range(1, NBUF):
        pltpu.async_copy(
            attr_hbm.at[pl.ds(ebase + b * CHUNK, CHUNK)], rows_v.at[b], sems[b])

    def zrow(r, carry):
        for j in range(H // 16):
            rows_v[0, r, pl.ds(j * 16, 16)] = jnp.zeros((16,), jnp.float32)
        return carry

    lax.fori_loop(0, CHUNK, zrow, 0)
    nbase = s * NPT

    @pl.when(s < NS - 1)
    def _():
        for j in range(7):
            pltpu.sync_copy(rows_v.at[0],
                            acc_sh.at[pl.ds(nbase + j * CHUNK, CHUNK)])
        pltpu.sync_copy(rows_v.at[0, pl.ds(0, NPT - 7 * CHUNK)],
                        acc_sh.at[pl.ds(nbase + 7 * CHUNK, NPT - 7 * CHUNK)])

    @pl.when(s == NS - 1)
    def _():
        for j in range(6):
            pltpu.sync_copy(rows_v.at[0],
                            acc_sh.at[pl.ds(15 * NPT + j * CHUNK, CHUNK)])
        pltpu.sync_copy(rows_v.at[0, pl.ds(0, NPT_LAST - 6 * CHUNK)],
                        acc_sh.at[pl.ds(15 * NPT + 6 * CHUNK,
                                        NPT_LAST - 6 * CHUNK)])

    pltpu.async_copy(attr_hbm.at[pl.ds(ebase, CHUNK)], rows_v.at[0], sems[0])
    pltpu.make_async_copy(row_hbm.at[0, wid], idx_v, si).wait()
    plsc.subcore_barrier()

    def group(g, carry):
        for b in range(NBUF):
            k = g * NBUF + b

            @pl.when(k < NCHUNK)
            def _():
                pltpu.make_async_copy(
                    attr_hbm.at[pl.ds(ebase + k * CHUNK, CHUNK)], rows_v.at[b],
                    sems[b]).wait()
                pltpu.sync_copy(rows_v.at[b], acc_sh.at[idx_v.at[k]], add=True)
                nk = k + NBUF

                @pl.when(nk < NCHUNK)
                def _():
                    pltpu.async_copy(
                        attr_hbm.at[pl.ds(ebase + nk * CHUNK, CHUNK)],
                        rows_v.at[b], sems[b])
        return carry

    lax.fori_loop(0, NGROUP, group, 0)
    plsc.subcore_barrier()

    @pl.when(s < NS - 1)
    def _():
        pltpu.sync_copy(acc_sh.at[pl.ds(nbase, NPT)],
                        out_hbm.at[c, pl.ds(nbase, NPT)])

    @pl.when(s == NS - 1)
    def _():
        pltpu.sync_copy(acc_sh.at[pl.ds(15 * NPT, NPT_LAST)],
                        out_hbm.at[c, pl.ds(15 * NPT, NPT_LAST)])


ROWS_BLK = 2000


def _mlp_body(x_ref, agg_ref, w1a_ref, w1b_ref, b1_ref, w2_ref, b2_ref,
              out_ref, comb_ref):
    xb = x_ref[...]
    ab = agg_ref[0] + agg_ref[1]
    comb_ref[:, :H] = xb
    comb_ref[:, H:] = ab
    h = jnp.dot(xb, w1a_ref[...], preferred_element_type=jnp.float32)
    h += jnp.dot(ab, w1b_ref[...], preferred_element_type=jnp.float32)
    h = jnp.maximum(h + b1_ref[...], 0.0)
    out_ref[...] = jnp.dot(h, w2_ref[...], preferred_element_type=jnp.float32) + b2_ref[...]


def _mlp(x, agg2, W1, b1, W2, b2):
    grid = (N_NODES // ROWS_BLK,)
    out, comb = pl.pallas_call(
        _mlp_body,
        grid=grid,
        in_specs=[
            pl.BlockSpec((ROWS_BLK, H), lambda i: (i, 0)),
            pl.BlockSpec((NC, ROWS_BLK, H), lambda i: (0, i, 0)),
            pl.BlockSpec((H, H), lambda i: (0, 0)),
            pl.BlockSpec((H, H), lambda i: (0, 0)),
            pl.BlockSpec((1, H), lambda i: (0, 0)),
            pl.BlockSpec((H, H), lambda i: (0, 0)),
            pl.BlockSpec((1, H), lambda i: (0, 0)),
        ],
        out_specs=[
            pl.BlockSpec((ROWS_BLK, H), lambda i: (i, 0)),
            pl.BlockSpec((ROWS_BLK, 2 * H), lambda i: (i, 0)),
        ],
        out_shape=[
            jax.ShapeDtypeStruct((N_NODES, H), jnp.float32),
            jax.ShapeDtypeStruct((N_NODES, 2 * H), jnp.float32),
        ],
    )(x, agg2, W1[:H], W1[H:], b1.reshape(1, H), W2, b2.reshape(1, H))
    return out, comb


def kernel(edge_index, edge_attr, x, W1, b1, W2, b2):
    ei = edge_index.astype(jnp.int32).reshape(2, NW, NCHUNK, CHUNK)
    agg2 = _sc_segment_sum(ei, edge_attr)
    return _mlp(x, agg2, W1, b1, W2, b2)

# --- scband reference (transcript-rebuilt; emitter-appended) ---
"""Pipeline reference for scband-node-model-12953621365293 (READ-ONLY COPY).

The authoritative reference and input builder live on the scoring server;
editing this copy changes nothing except your own understanding.
"""

import jax, jax.numpy as jnp
import numpy as np

N_NODES = 10000
N_EDGES = 320000
HIDDEN_NF = 128


def setup_inputs(seed: int = 0) -> dict:
    key = jax.random.key(seed)
    k1, k2, k3, k4, k5, k6, k7 = jax.random.split(key, 7)
    edge_index = jax.random.randint(k1, (2, N_EDGES), 0, N_NODES, dtype=jnp.int64)
    edge_attr = jax.random.normal(k2, (N_EDGES, HIDDEN_NF), dtype=jnp.float32)
    x = jax.random.normal(k3, (N_NODES, HIDDEN_NF), dtype=jnp.float32)
    # node_mlp params: Dense(hidden_nf) on concat([x, agg]) -> in 2*hidden_nf, then Dense(hidden_nf)
    in_dim = 2 * HIDDEN_NF
    W1 = jax.random.normal(k4, (in_dim, HIDDEN_NF), dtype=jnp.float32) / np.sqrt(in_dim)
    b1 = jnp.zeros((HIDDEN_NF,), dtype=jnp.float32)
    W2 = jax.random.normal(k5, (HIDDEN_NF, HIDDEN_NF), dtype=jnp.float32) / np.sqrt(HIDDEN_NF)
    b2 = jnp.zeros((HIDDEN_NF,), dtype=jnp.float32)
    return {"edge_index": edge_index, "edge_attr": edge_attr, "x": x, "W1": W1, "b1": b1, "W2": W2, "b2": b2}


def reference(edge_index, edge_attr, x, W1, b1, W2, b2):
    row = edge_index[0]
    num_nodes = x.shape[0]
    agg = jax.ops.segment_sum(edge_attr, row, num_segments=num_nodes)
    if agg.shape[-1] != x.shape[-1]:
        agg = jnp.pad(agg, ((0, 0), (0, x.shape[-1] - agg.shape[-1])))
    combined = jnp.concatenate([x, agg], axis=1)
    h = jnp.maximum(combined @ W1 + b1, 0.0)
    out = h @ W2 + b2
    return (out, combined)

if __name__ == "__main__":
    import jax
    _d = setup_inputs()
    print(jax.jit(kernel)(*tuple(_d.values())))

</pallas_src>

<mosaic_0001>
#map = affine_map<(d0, d1) -> (0, 0, 0, 0)>
#map1 = affine_map<(d0, d1) -> (0, 0)>
#map2 = affine_map<(d0, d1) -> (0, 0, 0)>
module attributes {stable_mosaic.version = 14 : i64} {
  func.func @_sc_segment_sum(%arg0: i32, %arg1: i32, %arg2: memref<2x32x125x80xi32, #tpu.memory_space<hbm>>, %arg3: memref<320000x128xf32, #tpu.memory_space<hbm>>, %arg4: memref<2x10000x128xf32, #tpu.memory_space<hbm>>, %arg5: memref<125x80xi32, #tpu.memory_space<vmem>>, %arg6: memref<3x80x128xf32, #tpu.memory_space<vmem>>, %arg7: memref<!tpu.dma_semaphore, #tpu.memory_space<semaphore_mem>>, %arg8: memref<!tpu.dma_semaphore, #tpu.memory_space<semaphore_mem>>, %arg9: memref<!tpu.dma_semaphore, #tpu.memory_space<semaphore_mem>>, %arg10: memref<!tpu.dma_semaphore, #tpu.memory_space<semaphore_mem>>, %arg11: memref<10000x128xf32, #tpu.memory_space<vmem_shared>>) attributes {dimension_semantics = [#tpu.dimension_semantics<core_parallel>, #tpu.dimension_semantics<subcore_parallel>], iteration_bounds = array<i64: 2, 16>, scalar_prefetch = 0 : i64, scratch_operands = 7 : i64, tpu.core_type = #tpu.core_type<sc_vector_subcore>, window_params = [{transform_indices = #map}, {transform_indices = #map1}, {transform_indices = #map2}]} {
    %mul3A = arith.constant 16 : i32
    %mul3A_0 = arith.muli %arg0, %mul3A : i32
    %add3A = arith.addi %mul3A_0, %arg1 : i32
    %mul3A_1 = arith.constant 10000 : i32
    %mul3A_2 = arith.muli %add3A, %mul3A_1 : i32
    %dma_start3A = arith.constant 0 : i32
    %dma_start3A_3 = arith.constant 0 : i32
    %dma_start3A_4 = arith.constant 0 : i32
    %dma_start3A_5 = tpu.memref_slice %arg2[%dma_start3A, %add3A, %dma_start3A_3, %dma_start3A_4] : memref<2x32x125x80xi32, #tpu.memory_space<hbm>> -> memref<1x1x125x80xi32, #tpu.memory_space<hbm>>
    %dma_start3A_6 = tpu.memref_squeeze %dma_start3A_5 : memref<1x1x125x80xi32, #tpu.memory_space<hbm>> -> memref<125x80xi32, #tpu.memory_space<hbm>>
    %dma_start3A_7 = arith.constant 0 : i32
    %dma_start3A_8 = arith.constant 0 : i32
    %dma_start3A_9 = tpu.memref_slice %arg2[%dma_start3A, %add3A, %dma_start3A_7, %dma_start3A_8] : memref<2x32x125x80xi32, #tpu.memory_space<hbm>> -> memref<1x1x125x80xi32, #tpu.memory_space<hbm>>
    %dma_start3A_10 = tpu.memref_squeeze %dma_start3A_9 : memref<1x1x125x80xi32, #tpu.memory_space<hbm>> -> memref<125x80xi32, #tpu.memory_space<hbm>>
    tpu.enqueue_dma source(%dma_start3A_10 : memref<125x80xi32, #tpu.memory_space<hbm>>) target(%arg5 : memref<125x80xi32, #tpu.memory_space<vmem>>) target_semaphore(%arg10 : memref<!tpu.dma_semaphore, #tpu.memory_space<semaphore_mem>>)
    %add3A_11 = arith.constant 80 : i32
    %add3A_12 = arith.addi %mul3A_2, %add3A_11 : i32
    %dma_start3A_13 = arith.constant 1 : i32
    %dma_start3A_14 = arith.constant 0 : i32
    %dma_start3A_15 = arith.constant 0 : i32
    %dma_start3A_16 = tpu.memref_slice %arg6[%dma_start3A_13, %dma_start3A_14, %dma_start3A_15] : memref<3x80x128xf32, #tpu.memory_space<vmem>> -> memref<1x80x128xf32, #tpu.memory_space<vmem>>
    %dma_start3A_17 = tpu.memref_squeeze %dma_start3A_16 : memref<1x80x128xf32, #tpu.memory_space<vmem>> -> memref<80x128xf32, #tpu.memory_space<vmem>>
    %dma_start3A_18 = arith.constant 0 : i32
    %dma_start3A_19 = tpu.memref_slice %arg3[%add3A_12, %dma_start3A_18] : memref<320000x128xf32, #tpu.memory_space<hbm>> -> memref<80x128xf32, #tpu.memory_space<hbm>>
    %dma_start3A_20 = arith.constant 0 : i32
    %dma_start3A_21 = arith.constant 0 : i32
    %dma_start3A_22 = tpu.memref_slice %arg6[%dma_start3A_13, %dma_start3A_20, %dma_start3A_21] : memref<3x80x128xf32, #tpu.memory_space<vmem>> -> memref<1x80x128xf32, #tpu.memory_space<vmem>>
    %dma_start3A_23 = tpu.memref_squeeze %dma_start3A_22 : memref<1x80x128xf32, #tpu.memory_space<vmem>> -> memref<80x128xf32, #tpu.memory_space<vmem>>
    %dma_start3A_24 = arith.constant 0 : i32
    %dma_start3A_25 = tpu.memref_slice %arg3[%add3A_12, %dma_start3A_24] : memref<320000x128xf32, #tpu.memory_space<hbm>> -> memref<80x128xf32, #tpu.memory_space<hbm>>
    tpu.enqueue_dma source(%dma_start3A_25 : memref<80x128xf32, #tpu.memory_space<hbm>>) target(%dma_start3A_23 : memref<80x128xf32, #tpu.memory_space<vmem>>) target_semaphore(%arg8 : memref<!tpu.dma_semaphore, #tpu.memory_space<semaphore_mem>>)
    %add3A_26 = arith.constant 160 : i32
    %add3A_27 = arith.addi %mul3A_2, %add3A_26 : i32
    %dma_start3A_28 = arith.constant 2 : i32
    %dma_start3A_29 = arith.constant 0 : i32
    %dma_start3A_30 = arith.constant 0 : i32
    %dma_start3A_31 = tpu.memref_slice %arg6[%dma_start3A_28, %dma_start3A_29, %dma_start3A_30] : memref<3x80x128xf32, #tpu.memory_space<vmem>> -> memref<1x80x128xf32, #tpu.memory_space<vmem>>
    %dma_start3A_32 = tpu.memref_squeeze %dma_start3A_31 : memref<1x80x128xf32, #tpu.memory_space<vmem>> -> memref<80x128xf32, #tpu.memory_space<vmem>>
    %dma_start3A_33 = arith.constant 0 : i32
    %dma_start3A_34 = tpu.memref_slice %arg3[%add3A_27, %dma_start3A_33] : memref<320000x128xf32, #tpu.memory_space<hbm>> -> memref<80x128xf32, #tpu.memory_space<hbm>>
    %dma_start3A_35 = arith.constant 0 : i32
    %dma_start3A_36 = arith.constant 0 : i32
    %dma_start3A_37 = tpu.memref_slice %arg6[%dma_start3A_28, %dma_start3A_35, %dma_start3A_36] : memref<3x80x128xf32, #tpu.memory_space<vmem>> -> memref<1x80x128xf32, #tpu.memory_space<vmem>>
    %dma_start3A_38 = tpu.memref_squeeze %dma_start3A_37 : memref<1x80x128xf32, #tpu.memory_space<vmem>> -> memref<80x128xf32, #tpu.memory_space<vmem>>
    %dma_start3A_39 = arith.constant 0 : i32
    %dma_start3A_40 = tpu.memref_slice %arg3[%add3A_27, %dma_start3A_39] : memref<320000x128xf32, #tpu.memory_space<hbm>> -> memref<80x128xf32, #tpu.memory_space<hbm>>
    tpu.enqueue_dma source(%dma_start3A_40 : memref<80x128xf32, #tpu.memory_space<hbm>>) target(%dma_start3A_38 : memref<80x128xf32, #tpu.memory_space<vmem>>) target_semaphore(%arg9 : memref<!tpu.dma_semaphore, #tpu.memory_space<semaphore_mem>>)
    %scan3A = arith.constant 0 : i32
    %scan3A_41 = arith.constant 0 : i32
    %scan3A_42 = arith.constant 80 : i32
    %scan3A_43 = arith.addi %scan3A_41, %scan3A_42 : i32
    %scan3A_44 = arith.constant 1 : i32
    scf.for %scan3A_92 = %scan3A_41 to %scan3A_43 step %scan3A_44  : i32 {
      %broadcast_in_dim3A = arith.constant 0.000000e+00 : f32
      %broadcast_in_dim3A_93 = vector.broadcast %broadcast_in_dim3A : f32 to vector<16xf32>
      %swap3A = arith.constant 0 : i32
      %swap3A_94 = arith.index_cast %swap3A : i32 to index
      %swap3A_95 = arith.index_cast %scan3A_92 : i32 to index
      %swap3A_96 = arith.constant 0 : index
      %swap3A_97 = tpu.vector_load %arg6[%swap3A_94, %swap3A_95, %swap3A_96] {strides = array<i32>} : memref<3x80x128xf32, #tpu.memory_space<vmem>>, vector<1x1x16xf32>,
      %swap3A_98 = vector.shape_cast %swap3A_97 : vector<1x1x16xf32> to vector<16xf32>
      %swap3A_99 = vector.shape_cast %broadcast_in_dim3A_93 : vector<16xf32> to vector<1x1x16xf32>
      tpu.vector_store %arg6[%swap3A_94, %swap3A_95, %swap3A_96], %swap3A_99 {strides = array<i32>} : memref<3x80x128xf32, #tpu.memory_space<vmem>>, vector<1x1x16xf32>,
      %broadcast_in_dim3A_100 = arith.constant 0.000000e+00 : f32
      %broadcast_in_dim3A_101 = vector.broadcast %broadcast_in_dim3A_100 : f32 to vector<16xf32>
      %swap3A_102 = arith.constant 0 : i32
      %swap3A_103 = arith.index_cast %swap3A_102 : i32 to index
      %swap3A_104 = arith.index_cast %scan3A_92 : i32 to index
      %swap3A_105 = arith.constant 16 : index
      %swap3A_106 = tpu.vector_load %arg6[%swap3A_103, %swap3A_104, %swap3A_105] {strides = array<i32>} : memref<3x80x128xf32, #tpu.memory_space<vmem>>, vector<1x1x16xf32>,
      %swap3A_107 = vector.shape_cast %swap3A_106 : vector<1x1x16xf32> to vector<16xf32>
      %swap3A_108 = vector.shape_cast %broadcast_in_dim3A_101 : vector<16xf32> to vector<1x1x16xf32>
      tpu.vector_store %arg6[%swap3A_103, %swap3A_104, %swap3A_105], %swap3A_108 {strides = array<i32>} : memref<3x80x128xf32, #tpu.memory_space<vmem>>, vector<1x1x16xf32>,
      %broadcast_in_dim3A_109 = arith.constant 0.000000e+00 : f32
      %broadcast_in_dim3A_110 = vector.broadcast %broadcast_in_dim3A_109 : f32 to vector<16xf32>
      %swap3A_111 = arith.constant 0 : i32
      %swap3A_112 = arith.index_cast %swap3A_111 : i32 to index
      %swap3A_113 = arith.index_cast %scan3A_92 : i32 to index
      %swap3A_114 = arith.constant 32 : index
      %swap3A_115 = tpu.vector_load %arg6[%swap3A_112, %swap3A_113, %swap3A_114] {strides = array<i32>} : memref<3x80x128xf32, #tpu.memory_space<vmem>>, vector<1x1x16xf32>,
      %swap3A_116 = vector.shape_cast %swap3A_115 : vector<1x1x16xf32> to vector<16xf32>
      %swap3A_117 = vector.shape_cast %broadcast_in_dim3A_110 : vector<16xf32> to vector<1x1x16xf32>
      tpu.vector_store %arg6[%swap3A_112, %swap3A_113, %swap3A_114], %swap3A_117 {strides = array<i32>} : memref<3x80x128xf32, #tpu.memory_space<vmem>>, vector<1x1x16xf32>,
      %broadcast_in_dim3A_118 = arith.constant 0.000000e+00 : f32
      %broadcast_in_dim3A_119 = vector.broadcast %broadcast_in_dim3A_118 : f32 to vector<16xf32>
      %swap3A_120 = arith.constant 0 : i32
      %swap3A_121 = arith.index_cast %swap3A_120 : i32 to index
      %swap3A_122 = arith.index_cast %scan3A_92 : i32 to index
      %swap3A_123 = arith.constant 48 : index
      %swap3A_124 = tpu.vector_load %arg6[%swap3A_121, %swap3A_122, %swap3A_123] {strides = array<i32>} : memref<3x80x128xf32, #tpu.memory_space<vmem>>, vector<1x1x16xf32>,
      %swap3A_125 = vector.shape_cast %swap3A_124 : vector<1x1x16xf32> to vector<16xf32>
      %swap3A_126 = vector.shape_cast %broadcast_in_dim3A_119 : vector<16xf32> to vector<1x1x16xf32>
      tpu.vector_store %arg6[%swap3A_121, %swap3A_122, %swap3A_123], %swap3A_126 {strides = array<i32>} : memref<3x80x128xf32, #tpu.memory_space<vmem>>, vector<1x1x16xf32>,
      %broadcast_in_dim3A_127 = arith.constant 0.000000e+00 : f32
      %broadcast_in_dim3A_128 = vector.broadcast %broadcast_in_dim3A_127 : f32 to vector<16xf32>
      %swap3A_129 = arith.constant 0 : i32
      %swap3A_130 = arith.index_cast %swap3A_129 : i32 to index
      %swap3A_131 = arith.index_cast %scan3A_92 : i32 to index
      %swap3A_132 = arith.constant 64 : index
      %swap3A_133 = tpu.vector_load %arg6[%swap3A_130, %swap3A_131, %swap3A_132] {strides = array<i32>} : memref<3x80x128xf32, #tpu.memory_space<vmem>>, vector<1x1x16xf32>,
      %swap3A_134 = vector.shape_cast %swap3A_133 : vector<1x1x16xf32> to vector<16xf32>
      %swap3A_135 = vector.shape_cast %broadcast_in_dim3A_128 : vector<16xf32> to vector<1x1x16xf32>
      tpu.vector_store %arg6[%swap3A_130, %swap3A_131, %swap3A_132], %swap3A_135 {strides = array<i32>} : memref<3x80x128xf32, #tpu.memory_space<vmem>>, vector<1x1x16xf32>,
      %broadcast_in_dim3A_136 = arith.constant 0.000000e+00 : f32
      %broadcast_in_dim3A_137 = vector.broadcast %broadcast_in_dim3A_136 : f32 to vector<16xf32>
      %swap3A_138 = arith.constant 0 : i32
      %swap3A_139 = arith.index_cast %swap3A_138 : i32 to index
      %swap3A_140 = arith.index_cast %scan3A_92 : i32 to index
      %swap3A_141 = arith.constant 80 : index
      %swap3A_142 = tpu.vector_load %arg6[%swap3A_139, %swap3A_140, %swap3A_141] {strides = array<i32>} : memref<3x80x128xf32, #tpu.memory_space<vmem>>, vector<1x1x16xf32>,
      %swap3A_143 = vector.shape_cast %swap3A_142 : vector<1x1x16xf32> to vector<16xf32>
      %swap3A_144 = vector.shape_cast %broadcast_in_dim3A_137 : vector<16xf32> to vector<1x1x16xf32>
      tpu.vector_store %arg6[%swap3A_139, %swap3A_140, %swap3A_141], %swap3A_144 {strides = array<i32>} : memref<3x80x128xf32, #tpu.memory_space<vmem>>, vector<1x1x16xf32>,
      %broadcast_in_dim3A_145 = arith.constant 0.000000e+00 : f32
      %broadcast_in_dim3A_146 = vector.broadcast %broadcast_in_dim3A_145 : f32 to vector<16xf32>
      %swap3A_147 = arith.constant 0 : i32
      %swap3A_148 = arith.index_cast %swap3A_147 : i32 to index
      %swap3A_149 = arith.index_cast %scan3A_92 : i32 to index
      %swap3A_150 = arith.constant 96 : index
      %swap3A_151 = tpu.vector_load %arg6[%swap3A_148, %swap3A_149, %swap3A_150] {strides = array<i32>} : memref<3x80x128xf32, #tpu.memory_space<vmem>>, vector<1x1x16xf32>,
      %swap3A_152 = vector.shape_cast %swap3A_151 : vector<1x1x16xf32> to vector<16xf32>
      %swap3A_153 = vector.shape_cast %broadcast_in_dim3A_146 : vector<16xf32> to vector<1x1x16xf32>
      tpu.vector_store %arg6[%swap3A_148, %swap3A_149, %swap3A_150], %swap3A_153 {strides = array<i32>} : memref<3x80x128xf32, #tpu.memory_space<vmem>>, vector<1x1x16xf32>,
      %broadcast_in_dim3A_154 = arith.constant 0.000000e+00 : f32
      %broadcast_in_dim3A_155 = vector.broadcast %broadcast_in_dim3A_154 : f32 to vector<16xf32>
      %swap3A_156 = arith.constant 0 : i32
      %swap3A_157 = arith.index_cast %swap3A_156 : i32 to index
      %swap3A_158 = arith.index_cast %scan3A_92 : i32 to index
      %swap3A_159 = arith.constant 112 : index
      %swap3A_160 = tpu.vector_load %arg6[%swap3A_157, %swap3A_158, %swap3A_159] {strides = array<i32>} : memref<3x80x128xf32, #tpu.memory_space<vmem>>, vector<1x1x16xf32>,
      %swap3A_161 = vector.shape_cast %swap3A_160 : vector<1x1x16xf32> to vector<16xf32>
      %swap3A_162 = vector.shape_cast %broadcast_in_dim3A_155 : vector<16xf32> to vector<1x1x16xf32>
      tpu.vector_store %arg6[%swap3A_157, %swap3A_158, %swap3A_159], %swap3A_162 {strides = array<i32>} : memref<3x80x128xf32, #tpu.memory_space<vmem>>, vector<1x1x16xf32>,
    }
    %scan3A_45 = arith.constant 80 : i32
    %mul3A_46 = arith.constant 632 : i32
    %mul3A_47 = arith.muli %arg1, %mul3A_46 : i32
    %lt3A = arith.constant 15 : i32
    %lt3A_48 = arith.cmpi slt, %arg1, %lt3A : i32
    %convert_element_type3A = arith.extui %lt3A_48 : i1 to i32
    %cond3A = arith.constant 0 : i32
    %cond3A_49 = arith.cmpi ne, %convert_element_type3A, %cond3A : i32
    scf.if %cond3A_49 {
      %add3A_92 = arith.constant 0 : i32
      %add3A_93 = arith.addi %mul3A_47, %add3A_92 : i32
      %run_scoped3A = arith.constant 0 : i32
      "tpu.region"() ({
        %run_scoped3A_115 = tpu.sem_alloc : memref<!tpu.dma_semaphore, #tpu.memory_space<semaphore_mem>>
        %dma_start3A_116 = arith.constant 0 : i32
        %dma_start3A_117 = arith.constant 0 : i32
        %dma_start3A_118 = tpu.memref_slice %arg6[%run_scoped3A, %dma_start3A_116, %dma_start3A_117] : memref<3x80x128xf32, #tpu.memory_space<vmem>> -> memref<1x80x128xf32, #tpu.memory_space<vmem>>
        %dma_start3A_119 = tpu.memref_squeeze %dma_start3A_118 : memref<1x80x128xf32, #tpu.memory_space<vmem>> -> memref<80x128xf32, #tpu.memory_space<vmem>>
        %dma_start3A_120 = arith.constant 0 : i32
        %dma_start3A_121 = tpu.memref_slice %arg11[%add3A_93, %dma_start3A_120] : memref<10000x128xf32, #tpu.memory_space<vmem_shared>> -> memref<80x128xf32, #tpu.memory_space<vmem_shared>>
        %dma_start3A_122 = arith.constant 0 : i32
        %dma_start3A_123 = tpu.memref_slice %arg11[%add3A_93, %dma_start3A_122] : memref<10000x128xf32, #tpu.memory_space<vmem_shared>> -> memref<80x128xf32, #tpu.memory_space<vmem_shared>>
        %dma_start3A_124 = arith.constant 0 : i32
        %dma_start3A_125 = arith.constant 0 : i32
        %dma_start3A_126 = tpu.memref_slice %arg6[%run_scoped3A, %dma_start3A_124, %dma_start3A_125] : memref<3x80x128xf32, #tpu.memory_space<vmem>> -> memref<1x80x128xf32, #tpu.memory_space<vmem>>
        %dma_start3A_127 = tpu.memref_squeeze %dma_start3A_126 : memref<1x80x128xf32, #tpu.memory_space<vmem>> -> memref<80x128xf32, #tpu.memory_space<vmem>>
        tpu.enqueue_dma source(%dma_start3A_127 : memref<80x128xf32, #tpu.memory_space<vmem>>) target(%dma_start3A_123 : memref<80x128xf32, #tpu.memory_space<vmem_shared>>) target_semaphore(%run_scoped3A_115 : memref<!tpu.dma_semaphore, #tpu.memory_space<semaphore_mem>>)
        %dma_wait3A_128 = arith.constant 0 : i32
        %dma_wait3A_129 = arith.constant 0 : i32
        %dma_wait3A_130 = tpu.memref_slice %arg6[%run_scoped3A, %dma_wait3A_128, %dma_wait3A_129] : memref<3x80x128xf32, #tpu.memory_space<vmem>> -> memref<1x80x128xf32, #tpu.memory_space<vmem>>
        %dma_wait3A_131 = tpu.memref_squeeze %dma_wait3A_130 : memref<1x80x128xf32, #tpu.memory_space<vmem>> -> memref<80x128xf32, #tpu.memory_space<vmem>>
        %dma_wait3A_132 = arith.constant 0 : i32
        %dma_wait3A_133 = tpu.memref_slice %arg11[%add3A_93, %dma_wait3A_132] : memref<10000x128xf32, #tpu.memory_space<vmem_shared>> -> memref<80x128xf32, #tpu.memory_space<vmem_shared>>
        %dma_wait3A_134 = arith.constant 0 : i32
        %dma_wait3A_135 = tpu.memref_slice %arg11[%add3A_93, %dma_wait3A_134] : memref<10000x128xf32, #tpu.memory_space<vmem_shared>> -> memref<80x128xf32, #tpu.memory_space<vmem_shared>>
        %dma_wait3A_136 = arith.constant 0 : i32
        %dma_wait3A_137 = arith.constant 0 : i32
        %dma_wait3A_138 = tpu.memref_slice %arg6[%run_scoped3A, %dma_wait3A_136, %dma_wait3A_137] : memref<3x80x128xf32, #tpu.memory_space<vmem>> -> memref<1x80x128xf32, #tpu.memory_space<vmem>>
        %dma_wait3A_139 = tpu.memref_squeeze %dma_wait3A_138 : memref<1x80x128xf32, #tpu.memory_space<vmem>> -> memref<80x128xf32, #tpu.memory_space<vmem>>
        tpu.wait_dma2 semaphore(%run_scoped3A_115 : memref<!tpu.dma_semaphore, #tpu.memory_space<semaphore_mem>>) src(%dma_wait3A_139 : memref<80x128xf32, #tpu.memory_space<vmem>>) dst(%dma_wait3A_135 : memref<80x128xf32, #tpu.memory_space<vmem_shared>>)
        tpu.yield
      }) : () -> ()
      %add3A_94 = arith.constant 80 : i32
      %add3A_95 = arith.addi %mul3A_47, %add3A_94 : i32
      %run_scoped3A_96 = arith.constant 0 : i32
      "tpu.region"() ({
        %run_scoped3A_115 = tpu.sem_alloc : memref<!tpu.dma_semaphore, #tpu.memory_space<semaphore_mem>>
        %dma_start3A_116 = arith.constant 0 : i32
        %dma_start3A_117 = arith.constant 0 : i32
        %dma_start3A_118 = tpu.memref_slice %arg6[%run_scoped3A_96, %dma_start3A_116, %dma_start3A_117] : memref<3x80x128xf32, #tpu.memory_space<vmem>> -> memref<1x80x128xf32, #tpu.memory_space<vmem>>
        %dma_start3A_119 = tpu.memref_squeeze %dma_start3A_118 : memref<1x80x128xf32, #tpu.memory_space<vmem>> -> memref<80x128xf32, #tpu.memory_space<vmem>>
        %dma_start3A_120 = arith.constant 0 : i32
        %dma_start3A_121 = tpu.memref_slice %arg11[%add3A_95, %dma_start3A_120] : memref<10000x128xf32, #tpu.memory_space<vmem_shared>> -> memref<80x128xf32, #tpu.memory_space<vmem_shared>>
        %dma_start3A_122 = arith.constant 0 : i32
        %dma_start3A_123 = tpu.memref_slice %arg11[%add3A_95, %dma_start3A_122] : memref<10000x128xf32, #tpu.memory_space<vmem_shared>> -> memref<80x128xf32, #tpu.memory_space<vmem_shared>>
        %dma_start3A_124 = arith.constant 0 : i32
        %dma_start3A_125 = arith.constant 0 : i32
        %dma_start3A_126 = tpu.memref_slice %arg6[%run_scoped3A_96, %dma_start3A_124, %dma_start3A_125] : memref<3x80x128xf32, #tpu.memory_space<vmem>> -> memref<1x80x128xf32, #tpu.memory_space<vmem>>
        %dma_start3A_127 = tpu.memref_squeeze %dma_start3A_126 : memref<1x80x128xf32, #tpu.memory_space<vmem>> -> memref<80x128xf32, #tpu.memory_space<vmem>>
        tpu.enqueue_dma source(%dma_start3A_127 : memref<80x128xf32, #tpu.memory_space<vmem>>) target(%dma_start3A_123 : memref<80x128xf32, #tpu.memory_space<vmem_shared>>) target_semaphore(%run_scoped3A_115 : memref<!tpu.dma_semaphore, #tpu.memory_space<semaphore_mem>>)
        %dma_wait3A_128 = arith.constant 0 : i32
        %dma_wait3A_129 = arith.constant 0 : i32
        %dma_wait3A_130 = tpu.memref_slice %arg6[%run_scoped3A_96, %dma_wait3A_128, %dma_wait3A_129] : memref<3x80x128xf32, #tpu.memory_space<vmem>> -> memref<1x80x128xf32, #tpu.memory_space<vmem>>
        %dma_wait3A_131 = tpu.memref_squeeze %dma_wait3A_130 : memref<1x80x128xf32, #tpu.memory_space<vmem>> -> memref<80x128xf32, #tpu.memory_space<vmem>>
        %dma_wait3A_132 = arith.constant 0 : i32
        %dma_wait3A_133 = tpu.memref_slice %arg11[%add3A_95, %dma_wait3A_132] : memref<10000x128xf32, #tpu.memory_space<vmem_shared>> -> memref<80x128xf32, #tpu.memory_space<vmem_shared>>
        %dma_wait3A_134 = arith.constant 0 : i32
        %dma_wait3A_135 = tpu.memref_slice %arg11[%add3A_95, %dma_wait3A_134] : memref<10000x128xf32, #tpu.memory_space<vmem_shared>> -> memref<80x128xf32, #tpu.memory_space<vmem_shared>>
        %dma_wait3A_136 = arith.constant 0 : i32
        %dma_wait3A_137 = arith.constant 0 : i32
        %dma_wait3A_138 = tpu.memref_slice %arg6[%run_scoped3A_96, %dma_wait3A_136, %dma_wait3A_137] : memref<3x80x128xf32, #tpu.memory_space<vmem>> -> memref<1x80x128xf32, #tpu.memory_space<vmem>>
        %dma_wait3A_139 = tpu.memref_squeeze %dma_wait3A_138 : memref<1x80x128xf32, #tpu.memory_space<vmem>> -> memref<80x128xf32, #tpu.memory_space<vmem>>
        tpu.wait_dma2 semaphore(%run_scoped3A_115 : memref<!tpu.dma_semaphore, #tpu.memory_space<semaphore_mem>>) src(%dma_wait3A_139 : memref<80x128xf32, #tpu.memory_space<vmem>>) dst(%dma_wait3A_135 : memref<80x128xf32, #tpu.memory_space<vmem_shared>>)
        tpu.yield
      }) : () -> ()
      %add3A_97 = arith.constant 160 : i32
      %add3A_98 = arith.addi %mul3A_47, %add3A_97 : i32
      %run_scoped3A_99 = arith.constant 0 : i32
      "tpu.region"() ({
        %run_scoped3A_115 = tpu.sem_alloc : memref<!tpu.dma_semaphore, #tpu.memory_space<semaphore_mem>>
        %dma_start3A_116 = arith.constant 0 : i32
        %dma_start3A_117 = arith.constant 0 : i32
        %dma_start3A_118 = tpu.memref_slice %arg6[%run_scoped3A_99, %dma_start3A_116, %dma_start3A_117] : memref<3x80x128xf32, #tpu.memory_space<vmem>> -> memref<1x80x128xf32, #tpu.memory_space<vmem>>
        %dma_start3A_119 = tpu.memref_squeeze %dma_start3A_118 : memref<1x80x128xf32, #tpu.memory_space<vmem>> -> memref<80x128xf32, #tpu.memory_space<vmem>>
        %dma_start3A_120 = arith.constant 0 : i32
        %dma_start3A_121 = tpu.memref_slice %arg11[%add3A_98, %dma_start3A_120] : memref<10000x128xf32, #tpu.memory_space<vmem_shared>> -> memref<80x128xf32, #tpu.memory_space<vmem_shared>>
        %dma_start3A_122 = arith.constant 0 : i32
        %dma_start3A_123 = tpu.memref_slice %arg11[%add3A_98, %dma_start3A_122] : memref<10000x128xf32, #tpu.memory_space<vmem_shared>> -> memref<80x128xf32, #tpu.memory_space<vmem_shared>>
        %dma_start3A_124 = arith.constant 0 : i32
        %dma_start3A_125 = arith.constant 0 : i32
        %dma_start3A_126 = tpu.memref_slice %arg6[%run_scoped3A_99, %dma_start3A_124, %dma_start3A_125] : memref<3x80x128xf32, #tpu.memory_space<vmem>> -> memref<1x80x128xf32, #tpu.memory_space<vmem>>
        %dma_start3A_127 = tpu.memref_squeeze %dma_start3A_126 : memref<1x80x128xf32, #tpu.memory_space<vmem>> -> memref<80x128xf32, #tpu.memory_space<vmem>>
        tpu.enqueue_dma source(%dma_start3A_127 : memref<80x128xf32, #tpu.memory_space<vmem>>) target(%dma_start3A_123 : memref<80x128xf32, #tpu.memory_space<vmem_shared>>) target_semaphore(%run_scoped3A_115 : memref<!tpu.dma_semaphore, #tpu.memory_space<semaphore_mem>>)
        %dma_wait3A_128 = arith.constant 0 : i32
        %dma_wait3A_129 = arith.constant 0 : i32
        %dma_wait3A_130 = tpu.memref_slice %arg6[%run_scoped3A_99, %dma_wait3A_128, %dma_wait3A_129] : memref<3x80x128xf32, #tpu.memory_space<vmem>> -> memref<1x80x128xf32, #tpu.memory_space<vmem>>
        %dma_wait3A_131 = tpu.memref_squeeze %dma_wait3A_130 : memref<1x80x128xf32, #tpu.memory_space<vmem>> -> memref<80x128xf32, #tpu.memory_space<vmem>>
        %dma_wait3A_132 = arith.constant 0 : i32
        %dma_wait3A_133 = tpu.memref_slice %arg11[%add3A_98, %dma_wait3A_132] : memref<10000x128xf32, #tpu.memory_space<vmem_shared>> -> memref<80x128xf32, #tpu.memory_space<vmem_shared>>
        %dma_wait3A_134 = arith.constant 0 : i32
        %dma_wait3A_135 = tpu.memref_slice %arg11[%add3A_98, %dma_wait3A_134] : memref<10000x128xf32, #tpu.memory_space<vmem_shared>> -> memref<80x128xf32, #tpu.memory_space<vmem_shared>>
        %dma_wait3A_136 = arith.constant 0 : i32
        %dma_wait3A_137 = arith.constant 0 : i32
        %dma_wait3A_138 = tpu.memref_slice %arg6[%run_scoped3A_99, %dma_wait3A_136, %dma_wait3A_137] : memref<3x80x128xf32, #tpu.memory_space<vmem>> -> memref<1x80x128xf32, #tpu.memory_space<vmem>>
        %dma_wait3A_139 = tpu.memref_squeeze %dma_wait3A_138 : memref<1x80x128xf32, #tpu.memory_space<vmem>> -> memref<80x128xf32, #tpu.memory_space<vmem>>
        tpu.wait_dma2 semaphore(%run_scoped3A_115 : memref<!tpu.dma_semaphore, #tpu.memory_space<semaphore_mem>>) src(%dma_wait3A_139 : memref<80x128xf32, #tpu.memory_space<vmem>>) dst(%dma_wait3A_135 : memref<80x128xf32, #tpu.memory_space<vmem_shared>>)
        tpu.yield
      }) : () -> ()
      %add3A_100 = arith.constant 240 : i32
      %add3A_101 = arith.addi %mul3A_47, %add3A_100 : i32
      %run_scoped3A_102 = arith.constant 0 : i32
      "tpu.region"() ({
        %run_scoped3A_115 = tpu.sem_alloc : memref<!tpu.dma_semaphore, #tpu.memory_space<semaphore_mem>>
        %dma_start3A_116 = arith.constant 0 : i32
        %dma_start3A_117 = arith.constant 0 : i32
        %dma_start3A_118 = tpu.memref_slice %arg6[%run_scoped3A_102, %dma_start3A_116, %dma_start3A_117] : memref<3x80x128xf32, #tpu.memory_space<vmem>> -> memref<1x80x128xf32, #tpu.memory_space<vmem>>
        %dma_start3A_119 = tpu.memref_squeeze %dma_start3A_118 : memref<1x80x128xf32, #tpu.memory_space<vmem>> -> memref<80x128xf32, #tpu.memory_space<vmem>>
        %dma_start3A_120 = arith.constant 0 : i32
        %dma_start3A_121 = tpu.memref_slice %arg11[%add3A_101, %dma_start3A_120] : memref<10000x128xf32, #tpu.memory_space<vmem_shared>> -> memref<80x128xf32, #tpu.memory_space<vmem_shared>>
        %dma_start3A_122 = arith.constant 0 : i32
        %dma_start3A_123 = tpu.memref_slice %arg11[%add3A_101, %dma_start3A_122] : memref<10000x128xf32, #tpu.memory_space<vmem_shared>> -> memref<80x128xf32, #tpu.memory_space<vmem_shared>>
        %dma_start3A_124 = arith.constant 0 : i32
        %dma_start3A_125 = arith.constant 0 : i32
        %dma_start3A_126 = tpu.memref_slice %arg6[%run_scoped3A_102, %dma_start3A_124, %dma_start3A_125] : memref<3x80x128xf32, #tpu.memory_space<vmem>> -> memref<1x80x128xf32, #tpu.memory_space<vmem>>
        %dma_start3A_127 = tpu.memref_squeeze %dma_start3A_126 : memref<1x80x128xf32, #tpu.memory_space<vmem>> -> memref<80x128xf32, #tpu.memory_space<vmem>>
        tpu.enqueue_dma source(%dma_start3A_127 : memref<80x128xf32, #tpu.memory_space<vmem>>) target(%dma_start3A_123 : memref<80x128xf32, #tpu.memory_space<vmem_shared>>) target_semaphore(%run_scoped3A_115 : memref<!tpu.dma_semaphore, #tpu.memory_space<semaphore_mem>>)
        %dma_wait3A_128 = arith.constant 0 : i32
        %dma_wait3A_129 = arith.constant 0 : i32
        %dma_wait3A_130 = tpu.memref_slice %arg6[%run_scoped3A_102, %dma_wait3A_128, %dma_wait3A_129] : memref<3x80x128xf32, #tpu.memory_space<vmem>> -> memref<1x80x128xf32, #tpu.memory_space<vmem>>
        %dma_wait3A_131 = tpu.memref_squeeze %dma_wait3A_130 : memref<1x80x128xf32, #tpu.memory_space<vmem>> -> memref<80x128xf32, #tpu.memory_space<vmem>>
        %dma_wait3A_132 = arith.constant 0 : i32
        %dma_wait3A_133 = tpu.memref_slice %arg11[%add3A_101, %dma_wait3A_132] : memref<10000x128xf32, #tpu.memory_space<vmem_shared>> -> memref<80x128xf32, #tpu.memory_space<vmem_shared>>
        %dma_wait3A_134 = arith.constant 0 : i32
        %dma_wait3A_135 = tpu.memref_slice %arg11[%add3A_101, %dma_wait3A_134] : memref<10000x128xf32, #tpu.memory_space<vmem_shared>> -> memref<80x128xf32, #tpu.memory_space<vmem_shared>>
        %dma_wait3A_136 = arith.constant 0 : i32
        %dma_wait3A_137 = arith.constant 0 : i32
        %dma_wait3A_138 = tpu.memref_slice %arg6[%run_scoped3A_102, %dma_wait3A_136, %dma_wait3A_137] : memref<3x80x128xf32, #tpu.memory_space<vmem>> -> memref<1x80x128xf32, #tpu.memory_space<vmem>>
        %dma_wait3A_139 = tpu.memref_squeeze %dma_wait3A_138 : memref<1x80x128xf32, #tpu.memory_space<vmem>> -> memref<80x128xf32, #tpu.memory_space<vmem>>
        tpu.wait_dma2 semaphore(%run_scoped3A_115 : memref<!tpu.dma_semaphore, #tpu.memory_space<semaphore_mem>>) src(%dma_wait3A_139 : memref<80x128xf32, #tpu.memory_space<vmem>>) dst(%dma_wait3A_135 : memref<80x128xf32, #tpu.memory_space<vmem_shared>>)
        tpu.yield
      }) : () -> ()
      %add3A_103 = arith.constant 320 : i32
      %add3A_104 = arith.addi %mul3A_47, %add3A_103 : i32
      %run_scoped3A_105 = arith.constant 0 : i32
      "tpu.region"() ({
        %run_scoped3A_115 = tpu.sem_alloc : memref<!tpu.dma_semaphore, #tpu.memory_space<semaphore_mem>>
        %dma_start3A_116 = arith.constant 0 : i32
        %dma_start3A_117 = arith.constant 0 : i32
        %dma_start3A_118 = tpu.memref_slice %arg6[%run_scoped3A_105, %dma_start3A_116, %dma_start3A_117] : memref<3x80x128xf32, #tpu.memory_space<vmem>> -> memref<1x80x128xf32, #tpu.memory_space<vmem>>
        %dma_start3A_119 = tpu.memref_squeeze %dma_start3A_118 : memref<1x80x128xf32, #tpu.memory_space<vmem>> -> memref<80x128xf32, #tpu.memory_space<vmem>>
        %dma_start3A_120 = arith.constant 0 : i32
        %dma_start3A_121 = tpu.memref_slice %arg11[%add3A_104, %dma_start3A_120] : memref<10000x128xf32, #tpu.memory_space<vmem_shared>> -> memref<80x128xf32, #tpu.memory_space<vmem_shared>>
        %dma_start3A_122 = arith.constant 0 : i32
        %dma_start3A_123 = tpu.memref_slice %arg11[%add3A_104, %dma_start3A_122] : memref<10000x128xf32, #tpu.memory_space<vmem_shared>> -> memref<80x128xf32, #tpu.memory_space<vmem_shared>>
        %dma_start3A_124 = arith.constant 0 : i32
        %dma_start3A_125 = arith.constant 0 : i32
        %dma_start3A_126 = tpu.memref_slice %arg6[%run_scoped3A_105, %dma_start3A_124, %dma_start3A_125] : memref<3x80x128xf32, #tpu.memory_space<vmem>> -> memref<1x80x128xf32, #tpu.memory_space<vmem>>
        %dma_start3A_127 = tpu.memref_squeeze %dma_start3A_126 : memref<1x80x128xf32, #tpu.memory_space<vmem>> -> memref<80x128xf32, #tpu.memory_space<vmem>>
        tpu.enqueue_dma source(%dma_start3A_127 : memref<80x128xf32, #tpu.memory_space<vmem>>) target(%dma_start3A_123 : memref<80x128xf32, #tpu.memory_space<vmem_shared>>) target_semaphore(%run_scoped3A_115 : memref<!tpu.dma_semaphore, #tpu.memory_space<semaphore_mem>>)
        %dma_wait3A_128 = arith.constant 0 : i32
        %dma_wait3A_129 = arith.constant 0 : i32
        %dma_wait3A_130 = tpu.memref_slice %arg6[%run_scoped3A_105, %dma_wait3A_128, %dma_wait3A_129] : memref<3x80x128xf32, #tpu.memory_space<vmem>> -> memref<1x80x128xf32, #tpu.memory_space<vmem>>
        %dma_wait3A_131 = tpu.memref_squeeze %dma_wait3A_130 : memref<1x80x128xf32, #tpu.memory_space<vmem>> -> memref<80x128xf32, #tpu.memory_space<vmem>>
        %dma_wait3A_132 = arith.constant 0 : i32
        %dma_wait3A_133 = tpu.memref_slice %arg11[%add3A_104, %dma_wait3A_132] : memref<10000x128xf32, #tpu.memory_space<vmem_shared>> -> memref<80x128xf32, #tpu.memory_space<vmem_shared>>
        %dma_wait3A_134 = arith.constant 0 : i32
        %dma_wait3A_135 = tpu.memref_slice %arg11[%add3A_104, %dma_wait3A_134] : memref<10000x128xf32, #tpu.memory_space<vmem_shared>> -> memref<80x128xf32, #tpu.memory_space<vmem_shared>>
        %dma_wait3A_136 = arith.constant 0 : i32
        %dma_wait3A_137 = arith.constant 0 : i32
        %dma_wait3A_138 = tpu.memref_slice %arg6[%run_scoped3A_105, %dma_wait3A_136, %dma_wait3A_137] : memref<3x80x128xf32, #tpu.memory_space<vmem>> -> memref<1x80x128xf32, #tpu.memory_space<vmem>>
        %dma_wait3A_139 = tpu.memref_squeeze %dma_wait3A_138 : memref<1x80x128xf32, #tpu.memory_space<vmem>> -> memref<80x128xf32, #tpu.memory_space<vmem>>
        tpu.wait_dma2 semaphore(%run_scoped3A_115 : memref<!tpu.dma_semaphore, #tpu.memory_space<semaphore_mem>>) src(%dma_wait3A_139 : memref<80x128xf32, #tpu.memory_space<vmem>>) dst(%dma_wait3A_135 : memref<80x128xf32, #tpu.memory_space<vmem_shared>>)
        tpu.yield
      }) : () -> ()
      %add3A_106 = arith.constant 400 : i32
      %add3A_107 = arith.addi %mul3A_47, %add3A_106 : i32
      %run_scoped3A_108 = arith.constant 0 : i32
      "tpu.region"() ({
        %run_scoped3A_115 = tpu.sem_alloc : memref<!tpu.dma_semaphore, #tpu.memory_space<semaphore_mem>>
        %dma_start3A_116 = arith.constant 0 : i32
        %dma_start3A_117 = arith.constant 0 : i32
        %dma_start3A_118 = tpu.memref_slice %arg6[%run_scoped3A_108, %dma_start3A_116, %dma_start3A_117] : memref<3x80x128xf32, #tpu.memory_space<vmem>> -> memref<1x80x128xf32, #tpu.memory_space<vmem>>
        %dma_start3A_119 = tpu.memref_squeeze %dma_start3A_118 : memref<1x80x128xf32, #tpu.memory_space<vmem>> -> memref<80x128xf32, #tpu.memory_space<vmem>>
        %dma_start3A_120 = arith.constant 0 : i32
        %dma_start3A_121 = tpu.memref_slice %arg11[%add3A_107, %dma_start3A_120] : memref<10000x128xf32, #tpu.memory_space<vmem_shared>> -> memref<80x128xf32, #tpu.memory_space<vmem_shared>>
        %dma_start3A_122 = arith.constant 0 : i32
        %dma_start3A_123 = tpu.memref_slice %arg11[%add3A_107, %dma_start3A_122] : memref<10000x128xf32, #tpu.memory_space<vmem_shared>> -> memref<80x128xf32, #tpu.memory_space<vmem_shared>>
        %dma_start3A_124 = arith.constant 0 : i32
        %dma_start3A_125 = arith.constant 0 : i32
        %dma_start3A_126 = tpu.memref_slice %arg6[%run_scoped3A_108, %dma_start3A_124, %dma_start3A_125] : memref<3x80x128xf32, #tpu.memory_space<vmem>> -> memref<1x80x128xf32, #tpu.memory_space<vmem>>
        %dma_start3A_127 = tpu.memref_squeeze %dma_start3A_126 : memref<1x80x128xf32, #tpu.memory_space<vmem>> -> memref<80x128xf32, #tpu.memory_space<vmem>>
        tpu.enqueue_dma source(%dma_start3A_127 : memref<80x128xf32, #tpu.memory_space<vmem>>) target(%dma_start3A_123 : memref<80x128xf32, #tpu.memory_space<vmem_shared>>) target_semaphore(%run_scoped3A_115 : memref<!tpu.dma_semaphore, #tpu.memory_space<semaphore_mem>>)
        %dma_wait3A_128 = arith.constant 0 : i32
        %dma_wait3A_129 = arith.constant 0 : i32
        %dma_wait3A_130 = tpu.memref_slice %arg6[%run_scoped3A_108, %dma_wait3A_128, %dma_wait3A_129] : memref<3x80x128xf32, #tpu.memory_space<vmem>> -> memref<1x80x128xf32, #tpu.memory_space<vmem>>
        %dma_wait3A_131 = tpu.memref_squeeze %dma_wait3A_130 : memref<1x80x128xf32, #tpu.memory_space<vmem>> -> memref<80x128xf32, #tpu.memory_space<vmem>>
        %dma_wait3A_132 = arith.constant 0 : i32
        %dma_wait3A_133 = tpu.memref_slice %arg11[%add3A_107, %dma_wait3A_132] : memref<10000x128xf32, #tpu.memory_space<vmem_shared>> -> memref<80x128xf32, #tpu.memory_space<vmem_shared>>
        %dma_wait3A_134 = arith.constant 0 : i32
        %dma_wait3A_135 = tpu.memref_slice %arg11[%add3A_107, %dma_wait3A_134] : memref<10000x128xf32, #tpu.memory_space<vmem_shared>> -> memref<80x128xf32, #tpu.memory_space<vmem_shared>>
        %dma_wait3A_136 = arith.constant 0 : i32
        %dma_wait3A_137 = arith.constant 0 : i32
        %dma_wait3A_138 = tpu.memref_slice %arg6[%run_scoped3A_108, %dma_wait3A_136, %dma_wait3A_137] : memref<3x80x128xf32, #tpu.memory_space<vmem>> -> memref<1x80x128xf32, #tpu.memory_space<vmem>>
        %dma_wait3A_139 = tpu.memref_squeeze %dma_wait3A_138 : memref<1x80x128xf32, #tpu.memory_space<vmem>> -> memref<80x128xf32, #tpu.memory_space<vmem>>
        tpu.wait_dma2 semaphore(%run_scoped3A_115 : memref<!tpu.dma_semaphore, #tpu.memory_space<semaphore_mem>>) src(%dma_wait3A_139 : memref<80x128xf32, #tpu.memory_space<vmem>>) dst(%dma_wait3A_135 : memref<80x128xf32, #tpu.memory_space<vmem_shared>>)
        tpu.yield
      }) : () -> ()
      %add3A_109 = arith.constant 480 : i32
      %add3A_110 = arith.addi %mul3A_47, %add3A_109 : i32
      %run_scoped3A_111 = arith.constant 0 : i32
      "tpu.region"() ({
        %run_scoped3A_115 = tpu.sem_alloc : memref<!tpu.dma_semaphore, #tpu.memory_space<semaphore_mem>>
        %dma_start3A_116 = arith.constant 0 : i32
        %dma_start3A_117 = arith.constant 0 : i32
        %dma_start3A_118 = tpu.memref_slice %arg6[%run_scoped3A_111, %dma_start3A_116, %dma_start3A_117] : memref<3x80x128xf32, #tpu.memory_space<vmem>> -> memref<1x80x128xf32, #tpu.memory_space<vmem>>
        %dma_start3A_119 = tpu.memref_squeeze %dma_start3A_118 : memref<1x80x128xf32, #tpu.memory_space<vmem>> -> memref<80x128xf32, #tpu.memory_space<vmem>>
        %dma_start3A_120 = arith.constant 0 : i32
        %dma_start3A_121 = tpu.memref_slice %arg11[%add3A_110, %dma_start3A_120] : memref<10000x128xf32, #tpu.memory_space<vmem_shared>> -> memref<80x128xf32, #tpu.memory_space<vmem_shared>>
        %dma_start3A_122 = arith.constant 0 : i32
        %dma_start3A_123 = tpu.memref_slice %arg11[%add3A_110, %dma_start3A_122] : memref<10000x128xf32, #tpu.memory_space<vmem_shared>> -> memref<80x128xf32, #tpu.memory_space<vmem_shared>>
        %dma_start3A_124 = arith.constant 0 : i32
        %dma_start3A_125 = arith.constant 0 : i32
        %dma_start3A_126 = tpu.memref_slice %arg6[%run_scoped3A_111, %dma_start3A_124, %dma_start3A_125] : memref<3x80x128xf32, #tpu.memory_space<vmem>> -> memref<1x80x128xf32, #tpu.memory_space<vmem>>
        %dma_start3A_127 = tpu.memref_squeeze %dma_start3A_126 : memref<1x80x128xf32, #tpu.memory_space<vmem>> -> memref<80x128xf32, #tpu.memory_space<vmem>>
        tpu.enqueue_dma source(%dma_start3A_127 : memref<80x128xf32, #tpu.memory_space<vmem>>) target(%dma_start3A_123 : memref<80x128xf32, #tpu.memory_space<vmem_shared>>) target_semaphore(%run_scoped3A_115 : memref<!tpu.dma_semaphore, #tpu.memory_space<semaphore_mem>>)
        %dma_wait3A_128 = arith.constant 0 : i32
        %dma_wait3A_129 = arith.constant 0 : i32
        %dma_wait3A_130 = tpu.memref_slice %arg6[%run_scoped3A_111, %dma_wait3A_128, %dma_wait3A_129] : memref<3x80x128xf32, #tpu.memory_space<vmem>> -> memref<1x80x128xf32, #tpu.memory_space<vmem>>
        %dma_wait3A_131 = tpu.memref_squeeze %dma_wait3A_130 : memref<1x80x128xf32, #tpu.memory_space<vmem>> -> memref<80x128xf32, #tpu.memory_space<vmem>>
        %dma_wait3A_132 = arith.constant 0 : i32
        %dma_wait3A_133 = tpu.memref_slice %arg11[%add3A_110, %dma_wait3A_132] : memref<10000x128xf32, #tpu.memory_space<vmem_shared>> -> memref<80x128xf32, #tpu.memory_space<vmem_shared>>
        %dma_wait3A_134 = arith.constant 0 : i32
        %dma_wait3A_135 = tpu.memref_slice %arg11[%add3A_110, %dma_wait3A_134] : memref<10000x128xf32, #tpu.memory_space<vmem_shared>> -> memref<80x128xf32, #tpu.memory_space<vmem_shared>>
        %dma_wait3A_136 = arith.constant 0 : i32
        %dma_wait3A_137 = arith.constant 0 : i32
        %dma_wait3A_138 = tpu.memref_slice %arg6[%run_scoped3A_111, %dma_wait3A_136, %dma_wait3A_137] : memref<3x80x128xf32, #tpu.memory_space<vmem>> -> memref<1x80x128xf32, #tpu.memory_space<vmem>>
        %dma_wait3A_139 = tpu.memref_squeeze %dma_wait3A_138 : memref<1x80x128xf32, #tpu.memory_space<vmem>> -> memref<80x128xf32, #tpu.memory_space<vmem>>
        tpu.wait_dma2 semaphore(%run_scoped3A_115 : memref<!tpu.dma_semaphore, #tpu.memory_space<semaphore_mem>>) src(%dma_wait3A_139 : memref<80x128xf32, #tpu.memory_space<vmem>>) dst(%dma_wait3A_135 : memref<80x128xf32, #tpu.memory_space<vmem_shared>>)
        tpu.yield
      }) : () -> ()
      %add3A_112 = arith.constant 560 : i32
      %add3A_113 = arith.addi %mul3A_47, %add3A_112 : i32
      %run_scoped3A_114 = arith.constant 0 : i32
      "tpu.region"() ({
        %run_scoped3A_115 = tpu.sem_alloc : memref<!tpu.dma_semaphore, #tpu.memory_space<semaphore_mem>>
        %dma_start3A_116 = arith.constant 0 : i32
        %dma_start3A_117 = arith.constant 0 : i32
        %dma_start3A_118 = tpu.memref_slice %arg6[%run_scoped3A_114, %dma_start3A_116, %dma_start3A_117] : memref<3x80x128xf32, #tpu.memory_space<vmem>> -> memref<1x72x128xf32, #tpu.memory_space<vmem>>
        %dma_start3A_119 = tpu.memref_squeeze %dma_start3A_118 : memref<1x72x128xf32, #tpu.memory_space<vmem>> -> memref<72x128xf32, #tpu.memory_space<vmem>>
        %dma_start3A_120 = arith.constant 0 : i32
        %dma_start3A_121 = tpu.memref_slice %arg11[%add3A_113, %dma_start3A_120] : memref<10000x128xf32, #tpu.memory_space<vmem_shared>> -> memref<72x128xf32, #tpu.memory_space<vmem_shared>>
        %dma_start3A_122 = arith.constant 0 : i32
        %dma_start3A_123 = tpu.memref_slice %arg11[%add3A_113, %dma_start3A_122] : memref<10000x128xf32, #tpu.memory_space<vmem_shared>> -> memref<72x128xf32, #tpu.memory_space<vmem_shared>>
        %dma_start3A_124 = arith.constant 0 : i32
        %dma_start3A_125 = arith.constant 0 : i32
        %dma_start3A_126 = tpu.memref_slice %arg6[%run_scoped3A_114, %dma_start3A_124, %dma_start3A_125] : memref<3x80x128xf32, #tpu.memory_space<vmem>> -> memref<1x72x128xf32, #tpu.memory_space<vmem>>
        %dma_start3A_127 = tpu.memref_squeeze %dma_start3A_126 : memref<1x72x128xf32, #tpu.memory_space<vmem>> -> memref<72x128xf32, #tpu.memory_space<vmem>>
        tpu.enqueue_dma source(%dma_start3A_127 : memref<72x128xf32, #tpu.memory_space<vmem>>) target(%dma_start3A_123 : memref<72x128xf32, #tpu.memory_space<vmem_shared>>) target_semaphore(%run_scoped3A_115 : memref<!tpu.dma_semaphore, #tpu.memory_space<semaphore_mem>>)
        %dma_wait3A_128 = arith.constant 0 : i32
        %dma_wait3A_129 = arith.constant 0 : i32
        %dma_wait3A_130 = tpu.memref_slice %arg6[%run_scoped3A_114, %dma_wait3A_128, %dma_wait3A_129] : memref<3x80x128xf32, #tpu.memory_space<vmem>> -> memref<1x72x128xf32, #tpu.memory_space<vmem>>
        %dma_wait3A_131 = tpu.memref_squeeze %dma_wait3A_130 : memref<1x72x128xf32, #tpu.memory_space<vmem>> -> memref<72x128xf32, #tpu.memory_space<vmem>>
        %dma_wait3A_132 = arith.constant 0 : i32
        %dma_wait3A_133 = tpu.memref_slice %arg11[%add3A_113, %dma_wait3A_132] : memref<10000x128xf32, #tpu.memory_space<vmem_shared>> -> memref<72x128xf32, #tpu.memory_space<vmem_shared>>
        %dma_wait3A_134 = arith.constant 0 : i32
        %dma_wait3A_135 = tpu.memref_slice %arg11[%add3A_113, %dma_wait3A_134] : memref<10000x128xf32, #tpu.memory_space<vmem_shared>> -> memref<72x128xf32, #tpu.memory_space<vmem_shared>>
        %dma_wait3A_136 = arith.constant 0 : i32
        %dma_wait3A_137 = arith.constant 0 : i32
        %dma_wait3A_138 = tpu.memref_slice %arg6[%run_scoped3A_114, %dma_wait3A_136, %dma_wait3A_137] : memref<3x80x128xf32, #tpu.memory_space<vmem>> -> memref<1x72x128xf32, #tpu.memory_space<vmem>>
        %dma_wait3A_139 = tpu.memref_squeeze %dma_wait3A_138 : memref<1x72x128xf32, #tpu.memory_space<vmem>> -> memref<72x128xf32, #tpu.memory_space<vmem>>
        tpu.wait_dma2 semaphore(%run_scoped3A_115 : memref<!tpu.dma_semaphore, #tpu.memory_space<semaphore_mem>>) src(%dma_wait3A_139 : memref<72x128xf32, #tpu.memory_space<vmem>>) dst(%dma_wait3A_135 : memref<72x128xf32, #tpu.memory_space<vmem_shared>>)
        tpu.yield
      }) : () -> ()
    } else {
    }
    %eq3A = arith.constant 15 : i32
    %eq3A_50 = arith.cmpi eq, %arg1, %eq3A : i32
    %convert_element_type3A_51 = arith.extui %eq3A_50 : i1 to i32
    %cond3A_52 = arith.constant 0 : i32
    %cond3A_53 = arith.cmpi ne, %convert_element_type3A_51, %cond3A_52 : i32
    scf.if %cond3A_53 {
      %run_scoped3A = arith.constant 0 : i32
      "tpu.region"() ({
        %run_scoped3A_98 = tpu.sem_alloc : memref<!tpu.dma_semaphore, #tpu.memory_space<semaphore_mem>>
        %dma_start3A_99 = arith.constant 0 : i32
        %dma_start3A_100 = arith.constant 0 : i32
        %dma_start3A_101 = tpu.memref_slice %arg6[%run_scoped3A, %dma_start3A_99, %dma_start3A_100] : memref<3x80x128xf32, #tpu.memory_space<vmem>> -> memref<1x80x128xf32, #tpu.memory_space<vmem>>
        %dma_start3A_102 = tpu.memref_squeeze %dma_start3A_101 : memref<1x80x128xf32, #tpu.memory_space<vmem>> -> memref<80x128xf32, #tpu.memory_space<vmem>>
        %dma_start3A_103 = arith.constant 9480 : i32
        %dma_start3A_104 = arith.constant 0 : i32
        %dma_start3A_105 = tpu.memref_slice %arg11[%dma_start3A_103, %dma_start3A_104] : memref<10000x128xf32, #tpu.memory_space<vmem_shared>> -> memref<80x128xf32, #tpu.memory_space<vmem_shared>>
        %dma_start3A_106 = arith.constant 9480 : i32
        %dma_start3A_107 = arith.constant 0 : i32
        %dma_start3A_108 = tpu.memref_slice %arg11[%dma_start3A_106, %dma_start3A_107] : memref<10000x128xf32, #tpu.memory_space<vmem_shared>> -> memref<80x128xf32, #tpu.memory_space<vmem_shared>>
        %dma_start3A_109 = arith.constant 0 : i32
        %dma_start3A_110 = arith.constant 0 : i32
        %dma_start3A_111 = tpu.memref_slice %arg6[%run_scoped3A, %dma_start3A_109, %dma_start3A_110] : memref<3x80x128xf32, #tpu.memory_space<vmem>> -> memref<1x80x128xf32, #tpu.memory_space<vmem>>
        %dma_start3A_112 = tpu.memref_squeeze %dma_start3A_111 : memref<1x80x128xf32, #tpu.memory_space<vmem>> -> memref<80x128xf32, #tpu.memory_space<vmem>>
        tpu.enqueue_dma source(%dma_start3A_112 : memref<80x128xf32, #tpu.memory_space<vmem>>) target(%dma_start3A_108 : memref<80x128xf32, #tpu.memory_space<vmem_shared>>) target_semaphore(%run_scoped3A_98 : memref<!tpu.dma_semaphore, #tpu.memory_space<semaphore_mem>>)
        %dma_wait3A_113 = arith.constant 0 : i32
        %dma_wait3A_114 = arith.constant 0 : i32
        %dma_wait3A_115 = tpu.memref_slice %arg6[%run_scoped3A, %dma_wait3A_113, %dma_wait3A_114] : memref<3x80x128xf32, #tpu.memory_space<vmem>> -> memref<1x80x128xf32, #tpu.memory_space<vmem>>
        %dma_wait3A_116 = tpu.memref_squeeze %dma_wait3A_115 : memref<1x80x128xf32, #tpu.memory_space<vmem>> -> memref<80x128xf32, #tpu.memory_space<vmem>>
        %dma_wait3A_117 = arith.constant 9480 : i32
        %dma_wait3A_118 = arith.constant 0 : i32
        %dma_wait3A_119 = tpu.memref_slice %arg11[%dma_wait3A_117, %dma_wait3A_118] : memref<10000x128xf32, #tpu.memory_space<vmem_shared>> -> memref<80x128xf32, #tpu.memory_space<vmem_shared>>
        %dma_wait3A_120 = arith.constant 9480 : i32
        %dma_wait3A_121 = arith.constant 0 : i32
        %dma_wait3A_122 = tpu.memref_slice %arg11[%dma_wait3A_120, %dma_wait3A_121] : memref<10000x128xf32, #tpu.memory_space<vmem_shared>> -> memref<80x128xf32, #tpu.memory_space<vmem_shared>>
        %dma_wait3A_123 = arith.constant 0 : i32
        %dma_wait3A_124 = arith.constant 0 : i32
        %dma_wait3A_125 = tpu.memref_slice %arg6[%run_scoped3A, %dma_wait3A_123, %dma_wait3A_124] : memref<3x80x128xf32, #tpu.memory_space<vmem>> -> memref<1x80x128xf32, #tpu.memory_space<vmem>>
        %dma_wait3A_126 = tpu.memref_squeeze %dma_wait3A_125 : memref<1x80x128xf32, #tpu.memory_space<vmem>> -> memref<80x128xf32, #tpu.memory_space<vmem>>
        tpu.wait_dma2 semaphore(%run_scoped3A_98 : memref<!tpu.dma_semaphore, #tpu.memory_space<semaphore_mem>>) src(%dma_wait3A_126 : memref<80x128xf32, #tpu.memory_space<vmem>>) dst(%dma_wait3A_122 : memref<80x128xf32, #tpu.memory_space<vmem_shared>>)
        tpu.yield
      }) : () -> ()
      %run_scoped3A_92 = arith.constant 0 : i32
      "tpu.region"() ({
        %run_scoped3A_98 = tpu.sem_alloc : memref<!tpu.dma_semaphore, #tpu.memory_space<semaphore_mem>>
        %dma_start3A_99 = arith.constant 0 : i32
        %dma_start3A_100 = arith.constant 0 : i32
        %dma_start3A_101 = tpu.memref_slice %arg6[%run_scoped3A_92, %dma_start3A_99, %dma_start3A_100] : memref<3x80x128xf32, #tpu.memory_space<vmem>> -> memref<1x80x128xf32, #tpu.memory_space<vmem>>
        %dma_start3A_102 = tpu.memref_squeeze %dma_start3A_101 : memref<1x80x128xf32, #tpu.memory_space<vmem>> -> memref<80x128xf32, #tpu.memory_space<vmem>>
        %dma_start3A_103 = arith.constant 9560 : i32
        %dma_start3A_104 = arith.constant 0 : i32
        %dma_start3A_105 = tpu.memref_slice %arg11[%dma_start3A_103, %dma_start3A_104] : memref<10000x128xf32, #tpu.memory_space<vmem_shared>> -> memref<80x128xf32, #tpu.memory_space<vmem_shared>>
        %dma_start3A_106 = arith.constant 9560 : i32
        %dma_start3A_107 = arith.constant 0 : i32
        %dma_start3A_108 = tpu.memref_slice %arg11[%dma_start3A_106, %dma_start3A_107] : memref<10000x128xf32, #tpu.memory_space<vmem_shared>> -> memref<80x128xf32, #tpu.memory_space<vmem_shared>>
        %dma_start3A_109 = arith.constant 0 : i32
        %dma_start3A_110 = arith.constant 0 : i32
        %dma_start3A_111 = tpu.memref_slice %arg6[%run_scoped3A_92, %dma_start3A_109, %dma_start3A_110] : memref<3x80x128xf32, #tpu.memory_space<vmem>> -> memref<1x80x128xf32, #tpu.memory_space<vmem>>
        %dma_start3A_112 = tpu.memref_squeeze %dma_start3A_111 : memref<1x80x128xf32, #tpu.memory_space<vmem>> -> memref<80x128xf32, #tpu.memory_space<vmem>>
        tpu.enqueue_dma source(%dma_start3A_112 : memref<80x128xf32, #tpu.memory_space<vmem>>) target(%dma_start3A_108 : memref<80x128xf32, #tpu.memory_space<vmem_shared>>) target_semaphore(%run_scoped3A_98 : memref<!tpu.dma_semaphore, #tpu.memory_space<semaphore_mem>>)
        %dma_wait3A_113 = arith.constant 0 : i32
        %dma_wait3A_114 = arith.constant 0 : i32
        %dma_wait3A_115 = tpu.memref_slice %arg6[%run_scoped3A_92, %dma_wait3A_113, %dma_wait3A_114] : memref<3x80x128xf32, #tpu.memory_space<vmem>> -> memref<1x80x128xf32, #tpu.memory_space<vmem>>
        %dma_wait3A_116 = tpu.memref_squeeze %dma_wait3A_115 : memref<1x80x128xf32, #tpu.memory_space<vmem>> -> memref<80x128xf32, #tpu.memory_space<vmem>>
        %dma_wait3A_117 = arith.constant 9560 : i32
        %dma_wait3A_118 = arith.constant 0 : i32
        %dma_wait3A_119 = tpu.memref_slice %arg11[%dma_wait3A_117, %dma_wait3A_118] : memref<10000x128xf32, #tpu.memory_space<vmem_shared>> -> memref<80x128xf32, #tpu.memory_space<vmem_shared>>
        %dma_wait3A_120 = arith.constant 9560 : i32
        %dma_wait3A_121 = arith.constant 0 : i32
        %dma_wait3A_122 = tpu.memref_slice %arg11[%dma_wait3A_120, %dma_wait3A_121] : memref<10000x128xf32, #tpu.memory_space<vmem_shared>> -> memref<80x128xf32, #tpu.memory_space<vmem_shared>>
        %dma_wait3A_123 = arith.constant 0 : i32
        %dma_wait3A_124 = arith.constant 0 : i32
        %dma_wait3A_125 = tpu.memref_slice %arg6[%run_scoped3A_92, %dma_wait3A_123, %dma_wait3A_124] : memref<3x80x128xf32, #tpu.memory_space<vmem>> -> memref<1x80x128xf32, #tpu.memory_space<vmem>>
        %dma_wait3A_126 = tpu.memref_squeeze %dma_wait3A_125 : memref<1x80x128xf32, #tpu.memory_space<vmem>> -> memref<80x128xf32, #tpu.memory_space<vmem>>
        tpu.wait_dma2 semaphore(%run_scoped3A_98 : memref<!tpu.dma_semaphore, #tpu.memory_space<semaphore_mem>>) src(%dma_wait3A_126 : memref<80x128xf32, #tpu.memory_space<vmem>>) dst(%dma_wait3A_122 : memref<80x128xf32, #tpu.memory_space<vmem_shared>>)
        tpu.yield
      }) : () -> ()
      %run_scoped3A_93 = arith.constant 0 : i32
      "tpu.region"() ({
        %run_scoped3A_98 = tpu.sem_alloc : memref<!tpu.dma_semaphore, #tpu.memory_space<semaphore_mem>>
        %dma_start3A_99 = arith.constant 0 : i32
        %dma_start3A_100 = arith.constant 0 : i32
        %dma_start3A_101 = tpu.memref_slice %arg6[%run_scoped3A_93, %dma_start3A_99, %dma_start3A_100] : memref<3x80x128xf32, #tpu.memory_space<vmem>> -> memref<1x80x128xf32, #tpu.memory_space<vmem>>
        %dma_start3A_102 = tpu.memref_squeeze %dma_start3A_101 : memref<1x80x128xf32, #tpu.memory_space<vmem>> -> memref<80x128xf32, #tpu.memory_space<vmem>>
        %dma_start3A_103 = arith.constant 9640 : i32
        %dma_start3A_104 = arith.constant 0 : i32
        %dma_start3A_105 = tpu.memref_slice %arg11[%dma_start3A_103, %dma_start3A_104] : memref<10000x128xf32, #tpu.memory_space<vmem_shared>> -> memref<80x128xf32, #tpu.memory_space<vmem_shared>>
        %dma_start3A_106 = arith.constant 9640 : i32
        %dma_start3A_107 = arith.constant 0 : i32
        %dma_start3A_108 = tpu.memref_slice %arg11[%dma_start3A_106, %dma_start3A_107] : memref<10000x128xf32, #tpu.memory_space<vmem_shared>> -> memref<80x128xf32, #tpu.memory_space<vmem_shared>>
        %dma_start3A_109 = arith.constant 0 : i32
        %dma_start3A_110 = arith.constant 0 : i32
        %dma_start3A_111 = tpu.memref_slice %arg6[%run_scoped3A_93, %dma_start3A_109, %dma_start3A_110] : memref<3x80x128xf32, #tpu.memory_space<vmem>> -> memref<1x80x128xf32, #tpu.memory_space<vmem>>
        %dma_start3A_112 = tpu.memref_squeeze %dma_start3A_111 : memref<1x80x128xf32, #tpu.memory_space<vmem>> -> memref<80x128xf32, #tpu.memory_space<vmem>>
        tpu.enqueue_dma source(%dma_start3A_112 : memref<80x128xf32, #tpu.memory_space<vmem>>) target(%dma_start3A_108 : memref<80x128xf32, #tpu.memory_space<vmem_shared>>) target_semaphore(%run_scoped3A_98 : memref<!tpu.dma_semaphore, #tpu.memory_space<semaphore_mem>>)
        %dma_wait3A_113 = arith.constant 0 : i32
        %dma_wait3A_114 = arith.constant 0 : i32
        %dma_wait3A_115 = tpu.memref_slice %arg6[%run_scoped3A_93, %dma_wait3A_113, %dma_wait3A_114] : memref<3x80x128xf32, #tpu.memory_space<vmem>> -> memref<1x80x128xf32, #tpu.memory_space<vmem>>
        %dma_wait3A_116 = tpu.memref_squeeze %dma_wait3A_115 : memref<1x80x128xf32, #tpu.memory_space<vmem>> -> memref<80x128xf32, #tpu.memory_space<vmem>>
        %dma_wait3A_117 = arith.constant 9640 : i32
        %dma_wait3A_118 = arith.constant 0 : i32
        %dma_wait3A_119 = tpu.memref_slice %arg11[%dma_wait3A_117, %dma_wait3A_118] : memref<10000x128xf32, #tpu.memory_space<vmem_shared>> -> memref<80x128xf32, #tpu.memory_space<vmem_shared>>
        %dma_wait3A_120 = arith.constant 9640 : i32
        %dma_wait3A_121 = arith.constant 0 : i32
        %dma_wait3A_122 = tpu.memref_slice %arg11[%dma_wait3A_120, %dma_wait3A_121] : memref<10000x128xf32, #tpu.memory_space<vmem_shared>> -> memref<80x128xf32, #tpu.memory_space<vmem_shared>>
        %dma_wait3A_123 = arith.constant 0 : i32
        %dma_wait3A_124 = arith.constant 0 : i32
        %dma_wait3A_125 = tpu.memref_slice %arg6[%run_scoped3A_93, %dma_wait3A_123, %dma_wait3A_124] : memref<3x80x128xf32, #tpu.memory_space<vmem>> -> memref<1x80x128xf32, #tpu.memory_space<vmem>>
        %dma_wait3A_126 = tpu.memref_squeeze %dma_wait3A_125 : memref<1x80x128xf32, #tpu.memory_space<vmem>> -> memref<80x128xf32, #tpu.memory_space<vmem>>
        tpu.wait_dma2 semaphore(%run_scoped3A_98 : memref<!tpu.dma_semaphore, #tpu.memory_space<semaphore_mem>>) src(%dma_wait3A_126 : memref<80x128xf32, #tpu.memory_space<vmem>>) dst(%dma_wait3A_122 : memref<80x128xf32, #tpu.memory_space<vmem_shared>>)
        tpu.yield
      }) : () -> ()
      %run_scoped3A_94 = arith.constant 0 : i32
      "tpu.region"() ({
        %run_scoped3A_98 = tpu.sem_alloc : memref<!tpu.dma_semaphore, #tpu.memory_space<semaphore_mem>>
        %dma_start3A_99 = arith.constant 0 : i32
        %dma_start3A_100 = arith.constant 0 : i32
        %dma_start3A_101 = tpu.memref_slice %arg6[%run_scoped3A_94, %dma_start3A_99, %dma_start3A_100] : memref<3x80x128xf32, #tpu.memory_space<vmem>> -> memref<1x80x128xf32, #tpu.memory_space<vmem>>
        %dma_start3A_102 = tpu.memref_squeeze %dma_start3A_101 : memref<1x80x128xf32, #tpu.memory_space<vmem>> -> memref<80x128xf32, #tpu.memory_space<vmem>>
        %dma_start3A_103 = arith.constant 9720 : i32
        %dma_start3A_104 = arith.constant 0 : i32
        %dma_start3A_105 = tpu.memref_slice %arg11[%dma_start3A_103, %dma_start3A_104] : memref<10000x128xf32, #tpu.memory_space<vmem_shared>> -> memref<80x128xf32, #tpu.memory_space<vmem_shared>>
        %dma_start3A_106 = arith.constant 9720 : i32
        %dma_start3A_107 = arith.constant 0 : i32
        %dma_start3A_108 = tpu.memref_slice %arg11[%dma_start3A_106, %dma_start3A_107] : memref<10000x128xf32, #tpu.memory_space<vmem_shared>> -> memref<80x128xf32, #tpu.memory_space<vmem_shared>>
        %dma_start3A_109 = arith.constant 0 : i32
        %dma_start3A_110 = arith.constant 0 : i32
        %dma_start3A_111 = tpu.memref_slice %arg6[%run_scoped3A_94, %dma_start3A_109, %dma_start3A_110] : memref<3x80x128xf32, #tpu.memory_space<vmem>> -> memref<1x80x128xf32, #tpu.memory_space<vmem>>
        %dma_start3A_112 = tpu.memref_squeeze %dma_start3A_111 : memref<1x80x128xf32, #tpu.memory_space<vmem>> -> memref<80x128xf32, #tpu.memory_space<vmem>>
        tpu.enqueue_dma source(%dma_start3A_112 : memref<80x128xf32, #tpu.memory_space<vmem>>) target(%dma_start3A_108 : memref<80x128xf32, #tpu.memory_space<vmem_shared>>) target_semaphore(%run_scoped3A_98 : memref<!tpu.dma_semaphore, #tpu.memory_space<semaphore_mem>>)
        %dma_wait3A_113 = arith.constant 0 : i32
        %dma_wait3A_114 = arith.constant 0 : i32
        %dma_wait3A_115 = tpu.memref_slice %arg6[%run_scoped3A_94, %dma_wait3A_113, %dma_wait3A_114] : memref<3x80x128xf32, #tpu.memory_space<vmem>> -> memref<1x80x128xf32, #tpu.memory_space<vmem>>
        %dma_wait3A_116 = tpu.memref_squeeze %dma_wait3A_115 : memref<1x80x128xf32, #tpu.memory_space<vmem>> -> memref<80x128xf32, #tpu.memory_space<vmem>>
        %dma_wait3A_117 = arith.constant 9720 : i32
        %dma_wait3A_118 = arith.constant 0 : i32
        %dma_wait3A_119 = tpu.memref_slice %arg11[%dma_wait3A_117, %dma_wait3A_118] : memref<10000x128xf32, #tpu.memory_space<vmem_shared>> -> memref<80x128xf32, #tpu.memory_space<vmem_shared>>
        %dma_wait3A_120 = arith.constant 9720 : i32
        %dma_wait3A_121 = arith.constant 0 : i32
        %dma_wait3A_122 = tpu.memref_slice %arg11[%dma_wait3A_120, %dma_wait3A_121] : memref<10000x128xf32, #tpu.memory_space<vmem_shared>> -> memref<80x128xf32, #tpu.memory_space<vmem_shared>>
        %dma_wait3A_123 = arith.constant 0 : i32
        %dma_wait3A_124 = arith.constant 0 : i32
        %dma_wait3A_125 = tpu.memref_slice %arg6[%run_scoped3A_94, %dma_wait3A_123, %dma_wait3A_124] : memref<3x80x128xf32, #tpu.memory_space<vmem>> -> memref<1x80x128xf32, #tpu.memory_space<vmem>>
        %dma_wait3A_126 = tpu.memref_squeeze %dma_wait3A_125 : memref<1x80x128xf32, #tpu.memory_space<vmem>> -> memref<80x128xf32, #tpu.memory_space<vmem>>
        tpu.wait_dma2 semaphore(%run_scoped3A_98 : memref<!tpu.dma_semaphore, #tpu.memory_space<semaphore_mem>>) src(%dma_wait3A_126 : memref<80x128xf32, #tpu.memory_space<vmem>>) dst(%dma_wait3A_122 : memref<80x128xf32, #tpu.memory_space<vmem_shared>>)
        tpu.yield
      }) : () -> ()
      %run_scoped3A_95 = arith.constant 0 : i32
      "tpu.region"() ({
        %run_scoped3A_98 = tpu.sem_alloc : memref<!tpu.dma_semaphore, #tpu.memory_space<semaphore_mem>>
        %dma_start3A_99 = arith.constant 0 : i32
        %dma_start3A_100 = arith.constant 0 : i32
        %dma_start3A_101 = tpu.memref_slice %arg6[%run_scoped3A_95, %dma_start3A_99, %dma_start3A_100] : memref<3x80x128xf32, #tpu.memory_space<vmem>> -> memref<1x80x128xf32, #tpu.memory_space<vmem>>
        %dma_start3A_102 = tpu.memref_squeeze %dma_start3A_101 : memref<1x80x128xf32, #tpu.memory_space<vmem>> -> memref<80x128xf32, #tpu.memory_space<vmem>>
        %dma_start3A_103 = arith.constant 9800 : i32
        %dma_start3A_104 = arith.constant 0 : i32
        %dma_start3A_105 = tpu.memref_slice %arg11[%dma_start3A_103, %dma_start3A_104] : memref<10000x128xf32, #tpu.memory_space<vmem_shared>> -> memref<80x128xf32, #tpu.memory_space<vmem_shared>>
        %dma_start3A_106 = arith.constant 9800 : i32
        %dma_start3A_107 = arith.constant 0 : i32
        %dma_start3A_108 = tpu.memref_slice %arg11[%dma_start3A_106, %dma_start3A_107] : memref<10000x128xf32, #tpu.memory_space<vmem_shared>> -> memref<80x128xf32, #tpu.memory_space<vmem_shared>>
        %dma_start3A_109 = arith.constant 0 : i32
        %dma_start3A_110 = arith.constant 0 : i32
        %dma_start3A_111 = tpu.memref_slice %arg6[%run_scoped3A_95, %dma_start3A_109, %dma_start3A_110] : memref<3x80x128xf32, #tpu.memory_space<vmem>> -> memref<1x80x128xf32, #tpu.memory_space<vmem>>
        %dma_start3A_112 = tpu.memref_squeeze %dma_start3A_111 : memref<1x80x128xf32, #tpu.memory_space<vmem>> -> memref<80x128xf32, #tpu.memory_space<vmem>>
        tpu.enqueue_dma source(%dma_start3A_112 : memref<80x128xf32, #tpu.memory_space<vmem>>) target(%dma_start3A_108 : memref<80x128xf32, #tpu.memory_space<vmem_shared>>) target_semaphore(%run_scoped3A_98 : memref<!tpu.dma_semaphore, #tpu.memory_space<semaphore_mem>>)
        %dma_wait3A_113 = arith.constant 0 : i32
        %dma_wait3A_114 = arith.constant 0 : i32
        %dma_wait3A_115 = tpu.memref_slice %arg6[%run_scoped3A_95, %dma_wait3A_113, %dma_wait3A_114] : memref<3x80x128xf32, #tpu.memory_space<vmem>> -> memref<1x80x128xf32, #tpu.memory_space<vmem>>
        %dma_wait3A_116 = tpu.memref_squeeze %dma_wait3A_115 : memref<1x80x128xf32, #tpu.memory_space<vmem>> -> memref<80x128xf32, #tpu.memory_space<vmem>>
        %dma_wait3A_117 = arith.constant 9800 : i32
        %dma_wait3A_118 = arith.constant 0 : i32
        %dma_wait3A_119 = tpu.memref_slice %arg11[%dma_wait3A_117, %dma_wait3A_118] : memref<10000x128xf32, #tpu.memory_space<vmem_shared>> -> memref<80x128xf32, #tpu.memory_space<vmem_shared>>
        %dma_wait3A_120 = arith.constant 9800 : i32
        %dma_wait3A_121 = arith.constant 0 : i32
        %dma_wait3A_122 = tpu.memref_slice %arg11[%dma_wait3A_120, %dma_wait3A_121] : memref<10000x128xf32, #tpu.memory_space<vmem_shared>> -> memref<80x128xf32, #tpu.memory_space<vmem_shared>>
        %dma_wait3A_123 = arith.constant 0 : i32
        %dma_wait3A_124 = arith.constant 0 : i32
        %dma_wait3A_125 = tpu.memref_slice %arg6[%run_scoped3A_95, %dma_wait3A_123, %dma_wait3A_124] : memref<3x80x128xf32, #tpu.memory_space<vmem>> -> memref<1x80x128xf32, #tpu.memory_space<vmem>>
        %dma_wait3A_126 = tpu.memref_squeeze %dma_wait3A_125 : memref<1x80x128xf32, #tpu.memory_space<vmem>> -> memref<80x128xf32, #tpu.memory_space<vmem>>
        tpu.wait_dma2 semaphore(%run_scoped3A_98 : memref<!tpu.dma_semaphore, #tpu.memory_space<semaphore_mem>>) src(%dma_wait3A_126 : memref<80x128xf32, #tpu.memory_space<vmem>>) dst(%dma_wait3A_122 : memref<80x128xf32, #tpu.memory_space<vmem_shared>>)
        tpu.yield
      }) : () -> ()
      %run_scoped3A_96 = arith.constant 0 : i32
      "tpu.region"() ({
        %run_scoped3A_98 = tpu.sem_alloc : memref<!tpu.dma_semaphore, #tpu.memory_space<semaphore_mem>>
        %dma_start3A_99 = arith.constant 0 : i32
        %dma_start3A_100 = arith.constant 0 : i32
        %dma_start3A_101 = tpu.memref_slice %arg6[%run_scoped3A_96, %dma_start3A_99, %dma_start3A_100] : memref<3x80x128xf32, #tpu.memory_space<vmem>> -> memref<1x80x128xf32, #tpu.memory_space<vmem>>
        %dma_start3A_102 = tpu.memref_squeeze %dma_start3A_101 : memref<1x80x128xf32, #tpu.memory_space<vmem>> -> memref<80x128xf32, #tpu.memory_space<vmem>>
        %dma_start3A_103 = arith.constant 9880 : i32
        %dma_start3A_104 = arith.constant 0 : i32
        %dma_start3A_105 = tpu.memref_slice %arg11[%dma_start3A_103, %dma_start3A_104] : memref<10000x128xf32, #tpu.memory_space<vmem_shared>> -> memref<80x128xf32, #tpu.memory_space<vmem_shared>>
        %dma_start3A_106 = arith.constant 9880 : i32
        %dma_start3A_107 = arith.constant 0 : i32
        %dma_start3A_108 = tpu.memref_slice %arg11[%dma_start3A_106, %dma_start3A_107] : memref<10000x128xf32, #tpu.memory_space<vmem_shared>> -> memref<80x128xf32, #tpu.memory_space<vmem_shared>>
        %dma_start3A_109 = arith.constant 0 : i32
        %dma_start3A_110 = arith.constant 0 : i32
        %dma_start3A_111 = tpu.memref_slice %arg6[%run_scoped3A_96, %dma_start3A_109, %dma_start3A_110] : memref<3x80x128xf32, #tpu.memory_space<vmem>> -> memref<1x80x128xf32, #tpu.memory_space<vmem>>
        %dma_start3A_112 = tpu.memref_squeeze %dma_start3A_111 : memref<1x80x128xf32, #tpu.memory_space<vmem>> -> memref<80x128xf32, #tpu.memory_space<vmem>>
        tpu.enqueue_dma source(%dma_start3A_112 : memref<80x128xf32, #tpu.memory_space<vmem>>) target(%dma_start3A_108 : memref<80x128xf32, #tpu.memory_space<vmem_shared>>) target_semaphore(%run_scoped3A_98 : memref<!tpu.dma_semaphore, #tpu.memory_space<semaphore_mem>>)
        %dma_wait3A_113 = arith.constant 0 : i32
        %dma_wait3A_114 = arith.constant 0 : i32
        %dma_wait3A_115 = tpu.memref_slice %arg6[%run_scoped3A_96, %dma_wait3A_113, %dma_wait3A_114] : memref<3x80x128xf32, #tpu.memory_space<vmem>> -> memref<1x80x128xf32, #tpu.memory_space<vmem>>
        %dma_wait3A_116 = tpu.memref_squeeze %dma_wait3A_115 : memref<1x80x128xf32, #tpu.memory_space<vmem>> -> memref<80x128xf32, #tpu.memory_space<vmem>>
        %dma_wait3A_117 = arith.constant 9880 : i32
        %dma_wait3A_118 = arith.constant 0 : i32
        %dma_wait3A_119 = tpu.memref_slice %arg11[%dma_wait3A_117, %dma_wait3A_118] : memref<10000x128xf32, #tpu.memory_space<vmem_shared>> -> memref<80x128xf32, #tpu.memory_space<vmem_shared>>
        %dma_wait3A_120 = arith.constant 9880 : i32
        %dma_wait3A_121 = arith.constant 0 : i32
        %dma_wait3A_122 = tpu.memref_slice %arg11[%dma_wait3A_120, %dma_wait3A_121] : memref<10000x128xf32, #tpu.memory_space<vmem_shared>> -> memref<80x128xf32, #tpu.memory_space<vmem_shared>>
        %dma_wait3A_123 = arith.constant 0 : i32
        %dma_wait3A_124 = arith.constant 0 : i32
        %dma_wait3A_125 = tpu.memref_slice %arg6[%run_scoped3A_96, %dma_wait3A_123, %dma_wait3A_124] : memref<3x80x128xf32, #tpu.memory_space<vmem>> -> memref<1x80x128xf32, #tpu.memory_space<vmem>>
        %dma_wait3A_126 = tpu.memref_squeeze %dma_wait3A_125 : memref<1x80x128xf32, #tpu.memory_space<vmem>> -> memref<80x128xf32, #tpu.memory_space<vmem>>
        tpu.wait_dma2 semaphore(%run_scoped3A_98 : memref<!tpu.dma_semaphore, #tpu.memory_space<semaphore_mem>>) src(%dma_wait3A_126 : memref<80x128xf32, #tpu.memory_space<vmem>>) dst(%dma_wait3A_122 : memref<80x128xf32, #tpu.memory_space<vmem_shared>>)
        tpu.yield
      }) : () -> ()
      %run_scoped3A_97 = arith.constant 0 : i32
      "tpu.region"() ({
        %run_scoped3A_98 = tpu.sem_alloc : memref<!tpu.dma_semaphore, #tpu.memory_space<semaphore_mem>>
        %dma_start3A_99 = arith.constant 0 : i32
        %dma_start3A_100 = arith.constant 0 : i32
        %dma_start3A_101 = tpu.memref_slice %arg6[%run_scoped3A_97, %dma_start3A_99, %dma_start3A_100] : memref<3x80x128xf32, #tpu.memory_space<vmem>> -> memref<1x40x128xf32, #tpu.memory_space<vmem>>
        %dma_start3A_102 = tpu.memref_squeeze %dma_start3A_101 : memref<1x40x128xf32, #tpu.memory_space<vmem>> -> memref<40x128xf32, #tpu.memory_space<vmem>>
        %dma_start3A_103 = arith.constant 9960 : i32
        %dma_start3A_104 = arith.constant 0 : i32
        %dma_start3A_105 = tpu.memref_slice %arg11[%dma_start3A_103, %dma_start3A_104] : memref<10000x128xf32, #tpu.memory_space<vmem_shared>> -> memref<40x128xf32, #tpu.memory_space<vmem_shared>>
        %dma_start3A_106 = arith.constant 9960 : i32
        %dma_start3A_107 = arith.constant 0 : i32
        %dma_start3A_108 = tpu.memref_slice %arg11[%dma_start3A_106, %dma_start3A_107] : memref<10000x128xf32, #tpu.memory_space<vmem_shared>> -> memref<40x128xf32, #tpu.memory_space<vmem_shared>>
        %dma_start3A_109 = arith.constant 0 : i32
        %dma_start3A_110 = arith.constant 0 : i32
        %dma_start3A_111 = tpu.memref_slice %arg6[%run_scoped3A_97, %dma_start3A_109, %dma_start3A_110] : memref<3x80x128xf32, #tpu.memory_space<vmem>> -> memref<1x40x128xf32, #tpu.memory_space<vmem>>
        %dma_start3A_112 = tpu.memref_squeeze %dma_start3A_111 : memref<1x40x128xf32, #tpu.memory_space<vmem>> -> memref<40x128xf32, #tpu.memory_space<vmem>>
        tpu.enqueue_dma source(%dma_start3A_112 : memref<40x128xf32, #tpu.memory_space<vmem>>) target(%dma_start3A_108 : memref<40x128xf32, #tpu.memory_space<vmem_shared>>) target_semaphore(%run_scoped3A_98 : memref<!tpu.dma_semaphore, #tpu.memory_space<semaphore_mem>>)
        %dma_wait3A_113 = arith.constant 0 : i32
        %dma_wait3A_114 = arith.constant 0 : i32
        %dma_wait3A_115 = tpu.memref_slice %arg6[%run_scoped3A_97, %dma_wait3A_113, %dma_wait3A_114] : memref<3x80x128xf32, #tpu.memory_space<vmem>> -> memref<1x40x128xf32, #tpu.memory_space<vmem>>
        %dma_wait3A_116 = tpu.memref_squeeze %dma_wait3A_115 : memref<1x40x128xf32, #tpu.memory_space<vmem>> -> memref<40x128xf32, #tpu.memory_space<vmem>>
        %dma_wait3A_117 = arith.constant 9960 : i32
        %dma_wait3A_118 = arith.constant 0 : i32
        %dma_wait3A_119 = tpu.memref_slice %arg11[%dma_wait3A_117, %dma_wait3A_118] : memref<10000x128xf32, #tpu.memory_space<vmem_shared>> -> memref<40x128xf32, #tpu.memory_space<vmem_shared>>
        %dma_wait3A_120 = arith.constant 9960 : i32
        %dma_wait3A_121 = arith.constant 0 : i32
        %dma_wait3A_122 = tpu.memref_slice %arg11[%dma_wait3A_120, %dma_wait3A_121] : memref<10000x128xf32, #tpu.memory_space<vmem_shared>> -> memref<40x128xf32, #tpu.memory_space<vmem_shared>>
        %dma_wait3A_123 = arith.constant 0 : i32
        %dma_wait3A_124 = arith.constant 0 : i32
        %dma_wait3A_125 = tpu.memref_slice %arg6[%run_scoped3A_97, %dma_wait3A_123, %dma_wait3A_124] : memref<3x80x128xf32, #tpu.memory_space<vmem>> -> memref<1x40x128xf32, #tpu.memory_space<vmem>>
        %dma_wait3A_126 = tpu.memref_squeeze %dma_wait3A_125 : memref<1x40x128xf32, #tpu.memory_space<vmem>> -> memref<40x128xf32, #tpu.memory_space<vmem>>
        tpu.wait_dma2 semaphore(%run_scoped3A_98 : memref<!tpu.dma_semaphore, #tpu.memory_space<semaphore_mem>>) src(%dma_wait3A_126 : memref<40x128xf32, #tpu.memory_space<vmem>>) dst(%dma_wait3A_122 : memref<40x128xf32, #tpu.memory_space<vmem_shared>>)
        tpu.yield
      }) : () -> ()
    } else {
    }
    %dma_start3A_54 = arith.constant 0 : i32
    %dma_start3A_55 = arith.constant 0 : i32
    %dma_start3A_56 = arith.constant 0 : i32
    %dma_start3A_57 = tpu.memref_slice %arg6[%dma_start3A_54, %dma_start3A_55, %dma_start3A_56] : memref<3x80x128xf32, #tpu.memory_space<vmem>> -> memref<1x80x128xf32, #tpu.memory_space<vmem>>
    %dma_start3A_58 = tpu.memref_squeeze %dma_start3A_57 : memref<1x80x128xf32, #tpu.memory_space<vmem>> -> memref<80x128xf32, #tpu.memory_space<vmem>>
    %dma_start3A_59 = arith.constant 0 : i32
    %dma_start3A_60 = tpu.memref_slice %arg3[%mul3A_2, %dma_start3A_59] : memref<320000x128xf32, #tpu.memory_space<hbm>> -> memref<80x128xf32, #tpu.memory_space<hbm>>
    %dma_start3A_61 = arith.constant 0 : i32
    %dma_start3A_62 = arith.constant 0 : i32
    %dma_start3A_63 = tpu.memref_slice %arg6[%dma_start3A_54, %dma_start3A_61, %dma_start3A_62] : memref<3x80x128xf32, #tpu.memory_space<vmem>> -> memref<1x80x128xf32, #tpu.memory_space<vmem>>
    %dma_start3A_64 = tpu.memref_squeeze %dma_start3A_63 : memref<1x80x128xf32, #tpu.memory_space<vmem>> -> memref<80x128xf32, #tpu.memory_space<vmem>>
    %dma_start3A_65 = arith.constant 0 : i32
    %dma_start3A_66 = tpu.memref_slice %arg3[%mul3A_2, %dma_start3A_65] : memref<320000x128xf32, #tpu.memory_space<hbm>> -> memref<80x128xf32, #tpu.memory_space<hbm>>
    tpu.enqueue_dma source(%dma_start3A_66 : memref<80x128xf32, #tpu.memory_space<hbm>>) target(%dma_start3A_64 : memref<80x128xf32, #tpu.memory_space<vmem>>) target_semaphore(%arg7 : memref<!tpu.dma_semaphore, #tpu.memory_space<semaphore_mem>>)
    %dma_wait3A = arith.constant 0 : i32
    %dma_wait3A_67 = arith.constant 0 : i32
    %dma_wait3A_68 = arith.constant 0 : i32
    %dma_wait3A_69 = tpu.memref_slice %arg2[%dma_wait3A, %add3A, %dma_wait3A_67, %dma_wait3A_68] : memref<2x32x125x80xi32, #tpu.memory_space<hbm>> -> memref<1x1x125x80xi32, #tpu.memory_space<hbm>>
    %dma_wait3A_70 = tpu.memref_squeeze %dma_wait3A_69 : memref<1x1x125x80xi32, #tpu.memory_space<hbm>> -> memref<125x80xi32, #tpu.memory_space<hbm>>
    %dma_wait3A_71 = arith.constant 0 : i32
    %dma_wait3A_72 = arith.constant 0 : i32
    %dma_wait3A_73 = tpu.memref_slice %arg2[%dma_wait3A, %add3A, %dma_wait3A_71, %dma_wait3A_72] : memref<2x32x125x80xi32, #tpu.memory_space<hbm>> -> memref<1x1x125x80xi32, #tpu.memory_space<hbm>>
    %dma_wait3A_74 = tpu.memref_squeeze %dma_wait3A_73 : memref<1x1x125x80xi32, #tpu.memory_space<hbm>> -> memref<125x80xi32, #tpu.memory_space<hbm>>
    tpu.wait_dma2 semaphore(%arg10 : memref<!tpu.dma_semaphore, #tpu.memory_space<semaphore_mem>>) src(%dma_wait3A_74 : memref<125x80xi32, #tpu.memory_space<hbm>>) dst(%arg5 : memref<125x80xi32, #tpu.memory_space<vmem>>)
    %barrier3A = arith.constant 0 : index
    tpu.barrier barrier_id(%barrier3A)
    %scan3A_75 = arith.constant 0 : i32
    %scan3A_76 = arith.constant 0 : i32
    %scan3A_77 = arith.constant 42 : i32
    %scan3A_78 = arith.addi %scan3A_76, %scan3A_77 : i32
    %scan3A_79 = arith.constant 1 : i32
    scf.for %scan3A_92 = %scan3A_76 to %scan3A_78 step %scan3A_79  : i32 {
      %mul3A_93 = arith.constant 3 : i32
      %mul3A_94 = arith.muli %scan3A_92, %mul3A_93 : i32
      %add3A_95 = arith.constant 0 : i32
      %add3A_96 = arith.addi %mul3A_94, %add3A_95 : i32
      %lt3A_97 = arith.constant 125 : i32
      %lt3A_98 = arith.cmpi slt, %add3A_96, %lt3A_97 : i32
      %convert_element_type3A_99 = arith.extui %lt3A_98 : i1 to i32
      %cond3A_100 = arith.constant 0 : i32
      %cond3A_101 = arith.cmpi ne, %convert_element_type3A_99, %cond3A_100 : i32
      scf.if %cond3A_101 {
        %mul3A_120 = arith.constant 80 : i32
        %mul3A_121 = arith.muli %add3A_96, %mul3A_120 : i32
        %add3A_122 = arith.addi %mul3A_2, %mul3A_121 : i32
        %dma_wait3A_123 = arith.constant 0 : i32
        %dma_wait3A_124 = arith.constant 0 : i32
        %dma_wait3A_125 = arith.constant 0 : i32
        %dma_wait3A_126 = tpu.memref_slice %arg6[%dma_wait3A_123, %dma_wait3A_124, %dma_wait3A_125] : memref<3x80x128xf32, #tpu.memory_space<vmem>> -> memref<1x80x128xf32, #tpu.memory_space<vmem>>
        %dma_wait3A_127 = tpu.memref_squeeze %dma_wait3A_126 : memref<1x80x128xf32, #tpu.memory_space<vmem>> -> memref<80x128xf32, #tpu.memory_space<vmem>>
        %dma_wait3A_128 = arith.constant 0 : i32
        %dma_wait3A_129 = tpu.memref_slice %arg3[%add3A_122, %dma_wait3A_128] : memref<320000x128xf32, #tpu.memory_space<hbm>> -> memref<80x128xf32, #tpu.memory_space<hbm>>
        %dma_wait3A_130 = arith.constant 0 : i32
        %dma_wait3A_131 = arith.constant 0 : i32
        %dma_wait3A_132 = tpu.memref_slice %arg6[%dma_wait3A_123, %dma_wait3A_130, %dma_wait3A_131] : memref<3x80x128xf32, #tpu.memory_space<vmem>> -> memref<1x80x128xf32, #tpu.memory_space<vmem>>
        %dma_wait3A_133 = tpu.memref_squeeze %dma_wait3A_132 : memref<1x80x128xf32, #tpu.memory_space<vmem>> -> memref<80x128xf32, #tpu.memory_space<vmem>>
        %dma_wait3A_134 = arith.constant 0 : i32
        %dma_wait3A_135 = tpu.memref_slice %arg3[%add3A_122, %dma_wait3A_134] : memref<320000x128xf32, #tpu.memory_space<hbm>> -> memref<80x128xf32, #tpu.memory_space<hbm>>
        tpu.wait_dma2 semaphore(%arg7 : memref<!tpu.dma_semaphore, #tpu.memory_space<semaphore_mem>>) src(%dma_wait3A_135 : memref<80x128xf32, #tpu.memory_space<hbm>>) dst(%dma_wait3A_133 : memref<80x128xf32, #tpu.memory_space<vmem>>)
        %run_scoped3A = arith.constant 0 : i32
        "tpu.region"() ({
          %run_scoped3A_143 = tpu.sem_alloc : memref<!tpu.dma_semaphore, #tpu.memory_space<semaphore_mem>>
          %dma_start3A_144 = arith.constant 0 : i32
          %dma_start3A_145 = arith.constant 0 : i32
          %dma_start3A_146 = tpu.memref_slice %arg6[%run_scoped3A, %dma_start3A_144, %dma_start3A_145] : memref<3x80x128xf32, #tpu.memory_space<vmem>> -> memref<1x80x128xf32, #tpu.memory_space<vmem>>
          %dma_start3A_147 = tpu.memref_squeeze %dma_start3A_146 : memref<1x80x128xf32, #tpu.memory_space<vmem>> -> memref<80x128xf32, #tpu.memory_space<vmem>>
          %dma_start3A_148 = arith.constant 0 : i32
          %dma_start3A_149 = tpu.memref_slice %arg5[%add3A_96, %dma_start3A_148] : memref<125x80xi32, #tpu.memory_space<vmem>> -> memref<1x80xi32, #tpu.memory_space<vmem>>
          %dma_start3A_150 = tpu.memref_squeeze %dma_start3A_149 : memref<1x80xi32, #tpu.memory_space<vmem>> -> memref<80xi32, #tpu.memory_space<vmem>>
          %dma_start3A_151 = arith.constant 0 : i32
          %dma_start3A_152 = arith.constant 0 : i32
          %dma_start3A_153 = tpu.memref_slice %arg11[%dma_start3A_151, %dma_start3A_152] : memref<10000x128xf32, #tpu.memory_space<vmem_shared>> -> memref<10000x128xf32, #tpu.memory_space<vmem_shared>>
          tpu.enqueue_indirect_dma source(%dma_start3A_147 : memref<80x128xf32, #tpu.memory_space<vmem>>) target(%dma_start3A_153 : memref<10000x128xf32, #tpu.memory_space<vmem_shared>>) offsets(%dma_start3A_150 : memref<80xi32, #tpu.memory_space<vmem>>) semaphore(%run_scoped3A_143 : memref<!tpu.dma_semaphore, #tpu.memory_space<semaphore_mem>>) {add = true}
          %dma_wait3A_154 = arith.constant 0 : i32
          %dma_wait3A_155 = arith.constant 0 : i32
          %dma_wait3A_156 = tpu.memref_slice %arg6[%run_scoped3A, %dma_wait3A_154, %dma_wait3A_155] : memref<3x80x128xf32, #tpu.memory_space<vmem>> -> memref<1x80x128xf32, #tpu.memory_space<vmem>>
          %dma_wait3A_157 = tpu.memref_squeeze %dma_wait3A_156 : memref<1x80x128xf32, #tpu.memory_space<vmem>> -> memref<80x128xf32, #tpu.memory_space<vmem>>
          %dma_wait3A_158 = arith.constant 0 : i32
          %dma_wait3A_159 = tpu.memref_slice %arg5[%add3A_96, %dma_wait3A_158] : memref<125x80xi32, #tpu.memory_space<vmem>> -> memref<1x80xi32, #tpu.memory_space<vmem>>
          %dma_wait3A_160 = tpu.memref_squeeze %dma_wait3A_159 : memref<1x80xi32, #tpu.memory_space<vmem>> -> memref<80xi32, #tpu.memory_space<vmem>>
          %dma_wait3A_161 = arith.constant 0 : i32
          %dma_wait3A_162 = arith.constant 0 : i32
          %dma_wait3A_163 = tpu.memref_slice %arg11[%dma_wait3A_161, %dma_wait3A_162] : memref<10000x128xf32, #tpu.memory_space<vmem_shared>> -> memref<10000x128xf32, #tpu.memory_space<vmem_shared>>
          tpu.wait_indirect_dma semaphore(%run_scoped3A_143 : memref<!tpu.dma_semaphore, #tpu.memory_space<semaphore_mem>>) src(%dma_wait3A_157 : memref<80x128xf32, #tpu.memory_space<vmem>>) dst(%dma_wait3A_163 : memref<10000x128xf32, #tpu.memory_space<vmem_shared>>)
          tpu.yield
        }) : () -> ()
        %add3A_136 = arith.constant 3 : i32
        %add3A_137 = arith.addi %add3A_96, %add3A_136 : i32
        %lt3A_138 = arith.constant 125 : i32
        %lt3A_139 = arith.cmpi slt, %add3A_137, %lt3A_138 : i32
        %convert_element_type3A_140 = arith.extui %lt3A_139 : i1 to i32
        %cond3A_141 = arith.constant 0 : i32
        %cond3A_142 = arith.cmpi ne, %convert_element_type3A_140, %cond3A_141 : i32
        scf.if %cond3A_142 {
          %mul3A_143 = arith.constant 80 : i32
          %mul3A_144 = arith.muli %add3A_137, %mul3A_143 : i32
          %add3A_145 = arith.addi %mul3A_2, %mul3A_144 : i32
          %dma_start3A_146 = arith.constant 0 : i32
          %dma_start3A_147 = arith.constant 0 : i32
          %dma_start3A_148 = arith.constant 0 : i32
          %dma_start3A_149 = tpu.memref_slice %arg6[%dma_start3A_146, %dma_start3A_147, %dma_start3A_148] : memref<3x80x128xf32, #tpu.memory_space<vmem>> -> memref<1x80x128xf32, #tpu.memory_space<vmem>>
          %dma_start3A_150 = tpu.memref_squeeze %dma_start3A_149 : memref<1x80x128xf32, #tpu.memory_space<vmem>> -> memref<80x128xf32, #tpu.memory_space<vmem>>
          %dma_start3A_151 = arith.constant 0 : i32
          %dma_start3A_152 = tpu.memref_slice %arg3[%add3A_145, %dma_start3A_151] : memref<320000x128xf32, #tpu.memory_space<hbm>> -> memref<80x128xf32, #tpu.memory_space<hbm>>
          %dma_start3A_153 = arith.constant 0 : i32
          %dma_start3A_154 = arith.constant 0 : i32
          %dma_start3A_155 = tpu.memref_slice %arg6[%dma_start3A_146, %dma_start3A_153, %dma_start3A_154] : memref<3x80x128xf32, #tpu.memory_space<vmem>> -> memref<1x80x128xf32, #tpu.memory_space<vmem>>
          %dma_start3A_156 = tpu.memref_squeeze %dma_start3A_155 : memref<1x80x128xf32, #tpu.memory_space<vmem>> -> memref<80x128xf32, #tpu.memory_space<vmem>>
          %dma_start3A_157 = arith.constant 0 : i32
          %dma_start3A_158 = tpu.memref_slice %arg3[%add3A_145, %dma_start3A_157] : memref<320000x128xf32, #tpu.memory_space<hbm>> -> memref<80x128xf32, #tpu.memory_space<hbm>>
          tpu.enqueue_dma source(%dma_start3A_158 : memref<80x128xf32, #tpu.memory_space<hbm>>) target(%dma_start3A_156 : memref<80x128xf32, #tpu.memory_space<vmem>>) target_semaphore(%arg7 : memref<!tpu.dma_semaphore, #tpu.memory_space<semaphore_mem>>)
        } else {
        }
      } else {
      }
      %mul3A_102 = arith.constant 3 : i32
      %mul3A_103 = arith.muli %scan3A_92, %mul3A_102 : i32
      %add3A_104 = arith.constant 1 : i32
      %add3A_105 = arith.addi %mul3A_103, %add3A_104 : i32
      %lt3A_106 = arith.constant 125 : i32
      %lt3A_107 = arith.cmpi slt, %add3A_105, %lt3A_106 : i32
      %convert_element_type3A_108 = arith.extui %lt3A_107 : i1 to i32
      %cond3A_109 = arith.constant 0 : i32
      %cond3A_110 = arith.cmpi ne, %convert_element_type3A_108, %cond3A_109 : i32
      scf.if %cond3A_110 {
        %mul3A_120 = arith.constant 80 : i32
        %mul3A_121 = arith.muli %add3A_105, %mul3A_120 : i32
        %add3A_122 = arith.addi %mul3A_2, %mul3A_121 : i32
        %dma_wait3A_123 = arith.constant 1 : i32
        %dma_wait3A_124 = arith.constant 0 : i32
        %dma_wait3A_125 = arith.constant 0 : i32
        %dma_wait3A_126 = tpu.memref_slice %arg6[%dma_wait3A_123, %dma_wait3A_124, %dma_wait3A_125] : memref<3x80x128xf32, #tpu.memory_space<vmem>> -> memref<1x80x128xf32, #tpu.memory_space<vmem>>
        %dma_wait3A_127 = tpu.memref_squeeze %dma_wait3A_126 : memref<1x80x128xf32, #tpu.memory_space<vmem>> -> memref<80x128xf32, #tpu.memory_space<vmem>>
        %dma_wait3A_128 = arith.constant 0 : i32
        %dma_wait3A_129 = tpu.memref_slice %arg3[%add3A_122, %dma_wait3A_128] : memref<320000x128xf32, #tpu.memory_space<hbm>> -> memref<80x128xf32, #tpu.memory_space<hbm>>
        %dma_wait3A_130 = arith.constant 0 : i32
        %dma_wait3A_131 = arith.constant 0 : i32
        %dma_wait3A_132 = tpu.memref_slice %arg6[%dma_wait3A_123, %dma_wait3A_130, %dma_wait3A_131] : memref<3x80x128xf32, #tpu.memory_space<vmem>> -> memref<1x80x128xf32, #tpu.memory_space<vmem>>
        %dma_wait3A_133 = tpu.memref_squeeze %dma_wait3A_132 : memref<1x80x128xf32, #tpu.memory_space<vmem>> -> memref<80x128xf32, #tpu.memory_space<vmem>>
        %dma_wait3A_134 = arith.constant 0 : i32
        %dma_wait3A_135 = tpu.memref_slice %arg3[%add3A_122, %dma_wait3A_134] : memref<320000x128xf32, #tpu.memory_space<hbm>> -> memref<80x128xf32, #tpu.memory_space<hbm>>
        tpu.wait_dma2 semaphore(%arg8 : memref<!tpu.dma_semaphore, #tpu.memory_space<semaphore_mem>>) src(%dma_wait3A_135 : memref<80x128xf32, #tpu.memory_space<hbm>>) dst(%dma_wait3A_133 : memref<80x128xf32, #tpu.memory_space<vmem>>)
        %run_scoped3A = arith.constant 1 : i32
        "tpu.region"() ({
          %run_scoped3A_143 = tpu.sem_alloc : memref<!tpu.dma_semaphore, #tpu.memory_space<semaphore_mem>>
          %dma_start3A_144 = arith.constant 0 : i32
          %dma_start3A_145 = arith.constant 0 : i32
          %dma_start3A_146 = tpu.memref_slice %arg6[%run_scoped3A, %dma_start3A_144, %dma_start3A_145] : memref<3x80x128xf32, #tpu.memory_space<vmem>> -> memref<1x80x128xf32, #tpu.memory_space<vmem>>
          %dma_start3A_147 = tpu.memref_squeeze %dma_start3A_146 : memref<1x80x128xf32, #tpu.memory_space<vmem>> -> memref<80x128xf32, #tpu.memory_space<vmem>>
          %dma_start3A_148 = arith.constant 0 : i32
          %dma_start3A_149 = tpu.memref_slice %arg5[%add3A_105, %dma_start3A_148] : memref<125x80xi32, #tpu.memory_space<vmem>> -> memref<1x80xi32, #tpu.memory_space<vmem>>
          %dma_start3A_150 = tpu.memref_squeeze %dma_start3A_149 : memref<1x80xi32, #tpu.memory_space<vmem>> -> memref<80xi32, #tpu.memory_space<vmem>>
          %dma_start3A_151 = arith.constant 0 : i32
          %dma_start3A_152 = arith.constant 0 : i32
          %dma_start3A_153 = tpu.memref_slice %arg11[%dma_start3A_151, %dma_start3A_152] : memref<10000x128xf32, #tpu.memory_space<vmem_shared>> -> memref<10000x128xf32, #tpu.memory_space<vmem_shared>>
          tpu.enqueue_indirect_dma source(%dma_start3A_147 : memref<80x128xf32, #tpu.memory_space<vmem>>) target(%dma_start3A_153 : memref<10000x128xf32, #tpu.memory_space<vmem_shared>>) offsets(%dma_start3A_150 : memref<80xi32, #tpu.memory_space<vmem>>) semaphore(%run_scoped3A_143 : memref<!tpu.dma_semaphore, #tpu.memory_space<semaphore_mem>>) {add = true}
          %dma_wait3A_154 = arith.constant 0 : i32
          %dma_wait3A_155 = arith.constant 0 : i32
          %dma_wait3A_156 = tpu.memref_slice %arg6[%run_scoped3A, %dma_wait3A_154, %dma_wait3A_155] : memref<3x80x128xf32, #tpu.memory_space<vmem>> -> memref<1x80x128xf32, #tpu.memory_space<vmem>>
          %dma_wait3A_157 = tpu.memref_squeeze %dma_wait3A_156 : memref<1x80x128xf32, #tpu.memory_space<vmem>> -> memref<80x128xf32, #tpu.memory_space<vmem>>
          %dma_wait3A_158 = arith.constant 0 : i32
          %dma_wait3A_159 = tpu.memref_slice %arg5[%add3A_105, %dma_wait3A_158] : memref<125x80xi32, #tpu.memory_space<vmem>> -> memref<1x80xi32, #tpu.memory_space<vmem>>
          %dma_wait3A_160 = tpu.memref_squeeze %dma_wait3A_159 : memref<1x80xi32, #tpu.memory_space<vmem>> -> memref<80xi32, #tpu.memory_space<vmem>>
          %dma_wait3A_161 = arith.constant 0 : i32
          %dma_wait3A_162 = arith.constant 0 : i32
          %dma_wait3A_163 = tpu.memref_slice %arg11[%dma_wait3A_161, %dma_wait3A_162] : memref<10000x128xf32, #tpu.memory_space<vmem_shared>> -> memref<10000x128xf32, #tpu.memory_space<vmem_shared>>
          tpu.wait_indirect_dma semaphore(%run_scoped3A_143 : memref<!tpu.dma_semaphore, #tpu.memory_space<semaphore_mem>>) src(%dma_wait3A_157 : memref<80x128xf32, #tpu.memory_space<vmem>>) dst(%dma_wait3A_163 : memref<10000x128xf32, #tpu.memory_space<vmem_shared>>)
          tpu.yield
        }) : () -> ()
        %add3A_136 = arith.constant 3 : i32
        %add3A_137 = arith.addi %add3A_105, %add3A_136 : i32
        %lt3A_138 = arith.constant 125 : i32
        %lt3A_139 = arith.cmpi slt, %add3A_137, %lt3A_138 : i32
        %convert_element_type3A_140 = arith.extui %lt3A_139 : i1 to i32
        %cond3A_141 = arith.constant 0 : i32
        %cond3A_142 = arith.cmpi ne, %convert_element_type3A_140, %cond3A_141 : i32
        scf.if %cond3A_142 {
          %mul3A_143 = arith.constant 80 : i32
          %mul3A_144 = arith.muli %add3A_137, %mul3A_143 : i32
          %add3A_145 = arith.addi %mul3A_2, %mul3A_144 : i32
          %dma_start3A_146 = arith.constant 1 : i32
          %dma_start3A_147 = arith.constant 0 : i32
          %dma_start3A_148 = arith.constant 0 : i32
          %dma_start3A_149 = tpu.memref_slice %arg6[%dma_start3A_146, %dma_start3A_147, %dma_start3A_148] : memref<3x80x128xf32, #tpu.memory_space<vmem>> -> memref<1x80x128xf32, #tpu.memory_space<vmem>>
          %dma_start3A_150 = tpu.memref_squeeze %dma_start3A_149 : memref<1x80x128xf32, #tpu.memory_space<vmem>> -> memref<80x128xf32, #tpu.memory_space<vmem>>
          %dma_start3A_151 = arith.constant 0 : i32
          %dma_start3A_152 = tpu.memref_slice %arg3[%add3A_145, %dma_start3A_151] : memref<320000x128xf32, #tpu.memory_space<hbm>> -> memref<80x128xf32, #tpu.memory_space<hbm>>
          %dma_start3A_153 = arith.constant 0 : i32
          %dma_start3A_154 = arith.constant 0 : i32
          %dma_start3A_155 = tpu.memref_slice %arg6[%dma_start3A_146, %dma_start3A_153, %dma_start3A_154] : memref<3x80x128xf32, #tpu.memory_space<vmem>> -> memref<1x80x128xf32, #tpu.memory_space<vmem>>
          %dma_start3A_156 = tpu.memref_squeeze %dma_start3A_155 : memref<1x80x128xf32, #tpu.memory_space<vmem>> -> memref<80x128xf32, #tpu.memory_space<vmem>>
          %dma_start3A_157 = arith.constant 0 : i32
          %dma_start3A_158 = tpu.memref_slice %arg3[%add3A_145, %dma_start3A_157] : memref<320000x128xf32, #tpu.memory_space<hbm>> -> memref<80x128xf32, #tpu.memory_space<hbm>>
          tpu.enqueue_dma source(%dma_start3A_158 : memref<80x128xf32, #tpu.memory_space<hbm>>) target(%dma_start3A_156 : memref<80x128xf32, #tpu.memory_space<vmem>>) target_semaphore(%arg8 : memref<!tpu.dma_semaphore, #tpu.memory_space<semaphore_mem>>)
        } else {
        }
      } else {
      }
      %mul3A_111 = arith.constant 3 : i32
      %mul3A_112 = arith.muli %scan3A_92, %mul3A_111 : i32
      %add3A_113 = arith.constant 2 : i32
      %add3A_114 = arith.addi %mul3A_112, %add3A_113 : i32
      %lt3A_115 = arith.constant 125 : i32
      %lt3A_116 = arith.cmpi slt, %add3A_114, %lt3A_115 : i32
      %convert_element_type3A_117 = arith.extui %lt3A_116 : i1 to i32
      %cond3A_118 = arith.constant 0 : i32
      %cond3A_119 = arith.cmpi ne, %convert_element_type3A_117, %cond3A_118 : i32
      scf.if %cond3A_119 {
        %mul3A_120 = arith.constant 80 : i32
        %mul3A_121 = arith.muli %add3A_114, %mul3A_120 : i32
        %add3A_122 = arith.addi %mul3A_2, %mul3A_121 : i32
        %dma_wait3A_123 = arith.constant 2 : i32
        %dma_wait3A_124 = arith.constant 0 : i32
        %dma_wait3A_125 = arith.constant 0 : i32
        %dma_wait3A_126 = tpu.memref_slice %arg6[%dma_wait3A_123, %dma_wait3A_124, %dma_wait3A_125] : memref<3x80x128xf32, #tpu.memory_space<vmem>> -> memref<1x80x128xf32, #tpu.memory_space<vmem>>
        %dma_wait3A_127 = tpu.memref_squeeze %dma_wait3A_126 : memref<1x80x128xf32, #tpu.memory_space<vmem>> -> memref<80x128xf32, #tpu.memory_space<vmem>>
        %dma_wait3A_128 = arith.constant 0 : i32
        %dma_wait3A_129 = tpu.memref_slice %arg3[%add3A_122, %dma_wait3A_128] : memref<320000x128xf32, #tpu.memory_space<hbm>> -> memref<80x128xf32, #tpu.memory_space<hbm>>
        %dma_wait3A_130 = arith.constant 0 : i32
        %dma_wait3A_131 = arith.constant 0 : i32
        %dma_wait3A_132 = tpu.memref_slice %arg6[%dma_wait3A_123, %dma_wait3A_130, %dma_wait3A_131] : memref<3x80x128xf32, #tpu.memory_space<vmem>> -> memref<1x80x128xf32, #tpu.memory_space<vmem>>
        %dma_wait3A_133 = tpu.memref_squeeze %dma_wait3A_132 : memref<1x80x128xf32, #tpu.memory_space<vmem>> -> memref<80x128xf32, #tpu.memory_space<vmem>>
        %dma_wait3A_134 = arith.constant 0 : i32
        %dma_wait3A_135 = tpu.memref_slice %arg3[%add3A_122, %dma_wait3A_134] : memref<320000x128xf32, #tpu.memory_space<hbm>> -> memref<80x128xf32, #tpu.memory_space<hbm>>
        tpu.wait_dma2 semaphore(%arg9 : memref<!tpu.dma_semaphore, #tpu.memory_space<semaphore_mem>>) src(%dma_wait3A_135 : memref<80x128xf32, #tpu.memory_space<hbm>>) dst(%dma_wait3A_133 : memref<80x128xf32, #tpu.memory_space<vmem>>)
        %run_scoped3A = arith.constant 2 : i32
        "tpu.region"() ({
          %run_scoped3A_143 = tpu.sem_alloc : memref<!tpu.dma_semaphore, #tpu.memory_space<semaphore_mem>>
          %dma_start3A_144 = arith.constant 0 : i32
          %dma_start3A_145 = arith.constant 0 : i32
          %dma_start3A_146 = tpu.memref_slice %arg6[%run_scoped3A, %dma_start3A_144, %dma_start3A_145] : memref<3x80x128xf32, #tpu.memory_space<vmem>> -> memref<1x80x128xf32, #tpu.memory_space<vmem>>
          %dma_start3A_147 = tpu.memref_squeeze %dma_start3A_146 : memref<1x80x128xf32, #tpu.memory_space<vmem>> -> memref<80x128xf32, #tpu.memory_space<vmem>>
          %dma_start3A_148 = arith.constant 0 : i32
          %dma_start3A_149 = tpu.memref_slice %arg5[%add3A_114, %dma_start3A_148] : memref<125x80xi32, #tpu.memory_space<vmem>> -> memref<1x80xi32, #tpu.memory_space<vmem>>
          %dma_start3A_150 = tpu.memref_squeeze %dma_start3A_149 : memref<1x80xi32, #tpu.memory_space<vmem>> -> memref<80xi32, #tpu.memory_space<vmem>>
          %dma_start3A_151 = arith.constant 0 : i32
          %dma_start3A_152 = arith.constant 0 : i32
          %dma_start3A_153 = tpu.memref_slice %arg11[%dma_start3A_151, %dma_start3A_152] : memref<10000x128xf32, #tpu.memory_space<vmem_shared>> -> memref<10000x128xf32, #tpu.memory_space<vmem_shared>>
          tpu.enqueue_indirect_dma source(%dma_start3A_147 : memref<80x128xf32, #tpu.memory_space<vmem>>) target(%dma_start3A_153 : memref<10000x128xf32, #tpu.memory_space<vmem_shared>>) offsets(%dma_start3A_150 : memref<80xi32, #tpu.memory_space<vmem>>) semaphore(%run_scoped3A_143 : memref<!tpu.dma_semaphore, #tpu.memory_space<semaphore_mem>>) {add = true}
          %dma_wait3A_154 = arith.constant 0 : i32
          %dma_wait3A_155 = arith.constant 0 : i32
          %dma_wait3A_156 = tpu.memref_slice %arg6[%run_scoped3A, %dma_wait3A_154, %dma_wait3A_155] : memref<3x80x128xf32, #tpu.memory_space<vmem>> -> memref<1x80x128xf32, #tpu.memory_space<vmem>>
          %dma_wait3A_157 = tpu.memref_squeeze %dma_wait3A_156 : memref<1x80x128xf32, #tpu.memory_space<vmem>> -> memref<80x128xf32, #tpu.memory_space<vmem>>
          %dma_wait3A_158 = arith.constant 0 : i32
          %dma_wait3A_159 = tpu.memref_slice %arg5[%add3A_114, %dma_wait3A_158] : memref<125x80xi32, #tpu.memory_space<vmem>> -> memref<1x80xi32, #tpu.memory_space<vmem>>
          %dma_wait3A_160 = tpu.memref_squeeze %dma_wait3A_159 : memref<1x80xi32, #tpu.memory_space<vmem>> -> memref<80xi32, #tpu.memory_space<vmem>>
          %dma_wait3A_161 = arith.constant 0 : i32
          %dma_wait3A_162 = arith.constant 0 : i32
          %dma_wait3A_163 = tpu.memref_slice %arg11[%dma_wait3A_161, %dma_wait3A_162] : memref<10000x128xf32, #tpu.memory_space<vmem_shared>> -> memref<10000x128xf32, #tpu.memory_space<vmem_shared>>
          tpu.wait_indirect_dma semaphore(%run_scoped3A_143 : memref<!tpu.dma_semaphore, #tpu.memory_space<semaphore_mem>>) src(%dma_wait3A_157 : memref<80x128xf32, #tpu.memory_space<vmem>>) dst(%dma_wait3A_163 : memref<10000x128xf32, #tpu.memory_space<vmem_shared>>)
          tpu.yield
        }) : () -> ()
        %add3A_136 = arith.constant 3 : i32
        %add3A_137 = arith.addi %add3A_114, %add3A_136 : i32
        %lt3A_138 = arith.constant 125 : i32
        %lt3A_139 = arith.cmpi slt, %add3A_137, %lt3A_138 : i32
        %convert_element_type3A_140 = arith.extui %lt3A_139 : i1 to i32
        %cond3A_141 = arith.constant 0 : i32
        %cond3A_142 = arith.cmpi ne, %convert_element_type3A_140, %cond3A_141 : i32
        scf.if %cond3A_142 {
          %mul3A_143 = arith.constant 80 : i32
          %mul3A_144 = arith.muli %add3A_137, %mul3A_143 : i32
          %add3A_145 = arith.addi %mul3A_2, %mul3A_144 : i32
          %dma_start3A_146 = arith.constant 2 : i32
          %dma_start3A_147 = arith.constant 0 : i32
          %dma_start3A_148 = arith.constant 0 : i32
          %dma_start3A_149 = tpu.memref_slice %arg6[%dma_start3A_146, %dma_start3A_147, %dma_start3A_148] : memref<3x80x128xf32, #tpu.memory_space<vmem>> -> memref<1x80x128xf32, #tpu.memory_space<vmem>>
          %dma_start3A_150 = tpu.memref_squeeze %dma_start3A_149 : memref<1x80x128xf32, #tpu.memory_space<vmem>> -> memref<80x128xf32, #tpu.memory_space<vmem>>
          %dma_start3A_151 = arith.constant 0 : i32
          %dma_start3A_152 = tpu.memref_slice %arg3[%add3A_145, %dma_start3A_151] : memref<320000x128xf32, #tpu.memory_space<hbm>> -> memref<80x128xf32, #tpu.memory_space<hbm>>
          %dma_start3A_153 = arith.constant 0 : i32
          %dma_start3A_154 = arith.constant 0 : i32
          %dma_start3A_155 = tpu.memref_slice %arg6[%dma_start3A_146, %dma_start3A_153, %dma_start3A_154] : memref<3x80x128xf32, #tpu.memory_space<vmem>> -> memref<1x80x128xf32, #tpu.memory_space<vmem>>
          %dma_start3A_156 = tpu.memref_squeeze %dma_start3A_155 : memref<1x80x128xf32, #tpu.memory_space<vmem>> -> memref<80x128xf32, #tpu.memory_space<vmem>>
          %dma_start3A_157 = arith.constant 0 : i32
          %dma_start3A_158 = tpu.memref_slice %arg3[%add3A_145, %dma_start3A_157] : memref<320000x128xf32, #tpu.memory_space<hbm>> -> memref<80x128xf32, #tpu.memory_space<hbm>>
          tpu.enqueue_dma source(%dma_start3A_158 : memref<80x128xf32, #tpu.memory_space<hbm>>) target(%dma_start3A_156 : memref<80x128xf32, #tpu.memory_space<vmem>>) target_semaphore(%arg9 : memref<!tpu.dma_semaphore, #tpu.memory_space<semaphore_mem>>)
        } else {
        }
      } else {
      }
    }
    %scan3A_80 = arith.constant 42 : i32
    %barrier3A_81 = arith.constant 0 : index
    tpu.barrier barrier_id(%barrier3A_81)
    %lt3A_82 = arith.constant 15 : i32
    %lt3A_83 = arith.cmpi slt, %arg1, %lt3A_82 : i32
    %convert_element_type3A_84 = arith.extui %lt3A_83 : i1 to i32
    %cond3A_85 = arith.constant 0 : i32
    %cond3A_86 = arith.cmpi ne, %convert_element_type3A_84, %cond3A_85 : i32
    scf.if %cond3A_86 {
      "tpu.region"() ({
        %run_scoped3A = tpu.sem_alloc : memref<!tpu.dma_semaphore, #tpu.memory_space<semaphore_mem>>
        %dma_start3A_92 = arith.constant 0 : i32
        %dma_start3A_93 = tpu.memref_slice %arg4[%arg0, %mul3A_47, %dma_start3A_92] : memref<2x10000x128xf32, #tpu.memory_space<hbm>> -> memref<1x632x128xf32, #tpu.memory_space<hbm>>
        %dma_start3A_94 = tpu.memref_squeeze %dma_start3A_93 : memref<1x632x128xf32, #tpu.memory_space<hbm>> -> memref<632x128xf32, #tpu.memory_space<hbm>>
        %dma_start3A_95 = arith.constant 0 : i32
        %dma_start3A_96 = tpu.memref_slice %arg11[%mul3A_47, %dma_start3A_95] : memref<10000x128xf32, #tpu.memory_space<vmem_shared>> -> memref<632x128xf32, #tpu.memory_space<vmem_shared>>
        tpu.enqueue_dma source(%dma_start3A_96 : memref<632x128xf32, #tpu.memory_space<vmem_shared>>) target(%dma_start3A_94 : memref<632x128xf32, #tpu.memory_space<hbm>>) target_semaphore(%run_scoped3A : memref<!tpu.dma_semaphore, #tpu.memory_space<semaphore_mem>>)
        %dma_wait3A_97 = arith.constant 0 : i32
        %dma_wait3A_98 = tpu.memref_slice %arg4[%arg0, %mul3A_47, %dma_wait3A_97] : memref<2x10000x128xf32, #tpu.memory_space<hbm>> -> memref<1x632x128xf32, #tpu.memory_space<hbm>>
        %dma_wait3A_99 = tpu.memref_squeeze %dma_wait3A_98 : memref<1x632x128xf32, #tpu.memory_space<hbm>> -> memref<632x128xf32, #tpu.memory_space<hbm>>
        %dma_wait3A_100 = arith.constant 0 : i32
        %dma_wait3A_101 = tpu.memref_slice %arg11[%mul3A_47, %dma_wait3A_100] : memref<10000x128xf32, #tpu.memory_space<vmem_shared>> -> memref<632x128xf32, #tpu.memory_space<vmem_shared>>
        tpu.wait_dma2 semaphore(%run_scoped3A : memref<!tpu.dma_semaphore, #tpu.memory_space<semaphore_mem>>) src(%dma_wait3A_101 : memref<632x128xf32, #tpu.memory_space<vmem_shared>>) dst(%dma_wait3A_99 : memref<632x128xf32, #tpu.memory_space<hbm>>)
        tpu.yield
      }) : () -> ()
    } else {
    }
    %eq3A_87 = arith.constant 15 : i32
    %eq3A_88 = arith.cmpi eq, %arg1, %eq3A_87 : i32
    %convert_element_type3A_89 = arith.extui %eq3A_88 : i1 to i32
    %cond3A_90 = arith.constant 0 : i32
    %cond3A_91 = arith.cmpi ne, %convert_element_type3A_89, %cond3A_90 : i32
    scf.if %cond3A_91 {
      "tpu.region"() ({
        %run_scoped3A = tpu.sem_alloc : memref<!tpu.dma_semaphore, #tpu.memory_space<semaphore_mem>>
        %dma_start3A_92 = arith.constant 9480 : i32
        %dma_start3A_93 = arith.constant 0 : i32
        %dma_start3A_94 = tpu.memref_slice %arg4[%arg0, %dma_start3A_92, %dma_start3A_93] : memref<2x10000x128xf32, #tpu.memory_space<hbm>> -> memref<1x520x128xf32, #tpu.memory_space<hbm>>
        %dma_start3A_95 = tpu.memref_squeeze %dma_start3A_94 : memref<1x520x128xf32, #tpu.memory_space<hbm>> -> memref<520x128xf32, #tpu.memory_space<hbm>>
        %dma_start3A_96 = arith.constant 9480 : i32
        %dma_start3A_97 = arith.constant 0 : i32
        %dma_start3A_98 = tpu.memref_slice %arg11[%dma_start3A_96, %dma_start3A_97] : memref<10000x128xf32, #tpu.memory_space<vmem_shared>> -> memref<520x128xf32, #tpu.memory_space<vmem_shared>>
        tpu.enqueue_dma source(%dma_start3A_98 : memref<520x128xf32, #tpu.memory_space<vmem_shared>>) target(%dma_start3A_95 : memref<520x128xf32, #tpu.memory_space<hbm>>) target_semaphore(%run_scoped3A : memref<!tpu.dma_semaphore, #tpu.memory_space<semaphore_mem>>)
        %dma_wait3A_99 = arith.constant 9480 : i32
        %dma_wait3A_100 = arith.constant 0 : i32
        %dma_wait3A_101 = tpu.memref_slice %arg4[%arg0, %dma_wait3A_99, %dma_wait3A_100] : memref<2x10000x128xf32, #tpu.memory_space<hbm>> -> memref<1x520x128xf32, #tpu.memory_space<hbm>>
        %dma_wait3A_102 = tpu.memref_squeeze %dma_wait3A_101 : memref<1x520x128xf32, #tpu.memory_space<hbm>> -> memref<520x128xf32, #tpu.memory_space<hbm>>
        %dma_wait3A_103 = arith.constant 9480 : i32
        %dma_wait3A_104 = arith.constant 0 : i32
        %dma_wait3A_105 = tpu.memref_slice %arg11[%dma_wait3A_103, %dma_wait3A_104] : memref<10000x128xf32, #tpu.memory_space<vmem_shared>> -> memref<520x128xf32, #tpu.memory_space<vmem_shared>>
        tpu.wait_dma2 semaphore(%run_scoped3A : memref<!tpu.dma_semaphore, #tpu.memory_space<semaphore_mem>>) src(%dma_wait3A_105 : memref<520x128xf32, #tpu.memory_space<vmem_shared>>) dst(%dma_wait3A_102 : memref<520x128xf32, #tpu.memory_space<hbm>>)
        tpu.yield
      }) : () -> ()
    } else {
    }
    return
  }
}

module attributes {stable_mosaic.version = 14 : i64} {
  func.func @_mlp_body(%arg0: i32, %arg1: memref<2000x128xf32, #tpu.memory_space<vmem>>, %arg2: memref<2x2000x128xf32, #tpu.memory_space<vmem>>, %arg3: memref<128x128xf32, #tpu.memory_space<vmem>>, %arg4: memref<128x128xf32, #tpu.memory_space<vmem>>, %arg5: memref<1x128xf32, #tpu.memory_space<vmem>>, %arg6: memref<128x128xf32, #tpu.memory_space<vmem>>, %arg7: memref<1x128xf32, #tpu.memory_space<vmem>>, %arg8: memref<2000x128xf32, #tpu.memory_space<vmem>>, %arg9: memref<2000x256xf32, #tpu.memory_space<vmem>>) attributes {dimension_semantics = [#tpu.dimension_semantics<arbitrary>], iteration_bounds = array<i64: 5>, scalar_prefetch = 0 : i64, scratch_operands = 0 : i64, tpu.core_type = #tpu.core_type<tc>, window_params = [{transform_indices = @transform_0, window_bounds = array<i64: 2000, 128>}, {transform_indices = @transform_1, window_bounds = array<i64: 2, 2000, 128>}, {pipeline_mode = #tpu.pipeline_mode<synchronous>, transform_indices = @transform_2, window_bounds = array<i64: 128, 128>}, {pipeline_mode = #tpu.pipeline_mode<synchronous>, transform_indices = @transform_3, window_bounds = array<i64: 128, 128>}, {pipeline_mode = #tpu.pipeline_mode<synchronous>, transform_indices = @transform_4, window_bounds = array<i64: 1, 128>}, {pipeline_mode = #tpu.pipeline_mode<synchronous>, transform_indices = @transform_5, window_bounds = array<i64: 128, 128>}, {pipeline_mode = #tpu.pipeline_mode<synchronous>, transform_indices = @transform_6, window_bounds = array<i64: 1, 128>}, {transform_indices = @transform_7, window_bounds = array<i64: 2000, 128>}, {transform_indices = @transform_8, window_bounds = array<i64: 2000, 256>}]} {
    %get3A = arith.constant 0 : index
    %get3A_0 = arith.constant 0 : index
    %get3A_1 = vector.load %arg1[%get3A, %get3A_0] : memref<2000x128xf32, #tpu.memory_space<vmem>>, vector<2000x128xf32>
    %get3A_2 = arith.constant 0 : index
    %get3A_3 = arith.constant 0 : index
    %get3A_4 = arith.constant 0 : index
    %get3A_5 = vector.load %arg2[%get3A_2, %get3A_3, %get3A_4] : memref<2x2000x128xf32, #tpu.memory_space<vmem>>, vector<1x2000x128xf32>
    %get3A_6 = vector.shape_cast %get3A_5 : vector<1x2000x128xf32> to vector<2000x128xf32>
    %get3A_7 = arith.constant 1 : index
    %get3A_8 = arith.constant 0 : index
    %get3A_9 = arith.constant 0 : index
    %get3A_10 = vector.load %arg2[%get3A_7, %get3A_8, %get3A_9] : memref<2x2000x128xf32, #tpu.memory_space<vmem>>, vector<1x2000x128xf32>
    %get3A_11 = vector.shape_cast %get3A_10 : vector<1x2000x128xf32> to vector<2000x128xf32>
    %add3A = arith.addf %get3A_6, %get3A_11 : vector<2000x128xf32>
    %swap3A = arith.constant 0 : index
    %swap3A_12 = arith.constant 0 : index
    %swap3A_13 = vector.load %arg9[%swap3A, %swap3A_12] : memref<2000x256xf32, #tpu.memory_space<vmem>>, vector<2000x128xf32>
    tpu.vector_store %arg9[%swap3A, %swap3A_12], %get3A_1 {strides = array<i32>} : memref<2000x256xf32, #tpu.memory_space<vmem>>, vector<2000x128xf32>,
    %swap3A_14 = arith.constant 0 : index
    %swap3A_15 = arith.constant 128 : index
    %swap3A_16 = vector.load %arg9[%swap3A_14, %swap3A_15] : memref<2000x256xf32, #tpu.memory_space<vmem>>, vector<2000x128xf32>
    tpu.vector_store %arg9[%swap3A_14, %swap3A_15], %add3A {strides = array<i32>} : memref<2000x256xf32, #tpu.memory_space<vmem>>, vector<2000x128xf32>,
    %get3A_17 = arith.constant 0 : index
    %get3A_18 = arith.constant 0 : index
    %get3A_19 = vector.load %arg3[%get3A_17, %get3A_18] : memref<128x128xf32, #tpu.memory_space<vmem>>, vector<128x128xf32>
    %dot_general3A = arith.constant dense<0.000000e+00> : vector<2000x128xf32>
    %dot_general3A_20 = tpu.matmul %get3A_1, %get3A_19, %dot_general3A {dimension_numbers = #tpu.dot_dimension_numbers<[1], [0], [0], [1], [0, 0, 1, 1], [], []>, transpose_lhs_hint = false} : vector<2000x128xf32>, vector<128x128xf32>, vector<2000x128xf32> -> vector<2000x128xf32>
    %get3A_21 = arith.constant 0 : index
    %get3A_22 = arith.constant 0 : index
    %get3A_23 = vector.load %arg4[%get3A_21, %get3A_22] : memref<128x128xf32, #tpu.memory_space<vmem>>, vector<128x128xf32>
    %dot_general3A_24 = arith.constant dense<0.000000e+00> : vector<2000x128xf32>
    %dot_general3A_25 = tpu.matmul %add3A, %get3A_23, %dot_general3A_24 {dimension_numbers = #tpu.dot_dimension_numbers<[1], [0], [0], [1], [0, 0, 1, 1], [], []>, transpose_lhs_hint = false} : vector<2000x128xf32>, vector<128x128xf32>, vector<2000x128xf32> -> vector<2000x128xf32>
    %add3A_26 = arith.addf %dot_general3A_20, %dot_general3A_25 : vector<2000x128xf32>
    %get3A_27 = arith.constant 0 : index
    %get3A_28 = arith.constant 0 : index
    %get3A_29 = vector.load %arg5[%get3A_27, %get3A_28] : memref<1x128xf32, #tpu.memory_space<vmem>>, vector<1x128xf32>
    %add3A_30 = vector.broadcast %get3A_29 : vector<1x128xf32> to vector<2000x128xf32>
    %add3A_31 = arith.addf %add3A_26, %add3A_30 : vector<2000x128xf32>
    %max3A = arith.constant 0.000000e+00 : f32
    %max3A_32 = vector.broadcast %max3A : f32 to vector<2000x128xf32>
    %max3A_33 = arith.maximumf %add3A_31, %max3A_32 : vector<2000x128xf32>
    %get3A_34 = arith.constant 0 : index
    %get3A_35 = arith.constant 0 : index
    %get3A_36 = vector.load %arg6[%get3A_34, %get3A_35] : memref<128x128xf32, #tpu.memory_space<vmem>>, vector<128x128xf32>
    %dot_general3A_37 = arith.constant dense<0.000000e+00> : vector<2000x128xf32>
    %dot_general3A_38 = tpu.matmul %max3A_33, %get3A_36, %dot_general3A_37 {dimension_numbers = #tpu.dot_dimension_numbers<[1], [0], [0], [1], [0, 0, 1, 1], [], []>, transpose_lhs_hint = false} : vector<2000x128xf32>, vector<128x128xf32>, vector<2000x128xf32> -> vector<2000x128xf32>
    %get3A_39 = arith.constant 0 : index
    %get3A_40 = arith.constant 0 : index
    %get3A_41 = vector.load %arg7[%get3A_39, %get3A_40] : memref<1x128xf32, #tpu.memory_space<vmem>>, vector<1x128xf32>
    %add3A_42 = vector.broadcast %get3A_41 : vector<1x128xf32> to vector<2000x128xf32>
    %add3A_43 = arith.addf %dot_general3A_38, %add3A_42 : vector<2000x128xf32>
    %swap3A_44 = arith.constant 0 : index
    %swap3A_45 = arith.constant 0 : index
    %swap3A_46 = vector.load %arg8[%swap3A_44, %swap3A_45] : memref<2000x128xf32, #tpu.memory_space<vmem>>, vector<2000x128xf32>
    tpu.vector_store %arg8[%swap3A_44, %swap3A_45], %add3A_43 {strides = array<i32>} : memref<2000x128xf32, #tpu.memory_space<vmem>>, vector<2000x128xf32>,
    return
  }
  func.func @transform_0(%arg0: i32) -> (i32, i32) {
    %c0_i32 = arith.constant 0 : i32
    %c0_i32_0 = arith.constant 0 : i32
    return %arg0, %c0_i32 : i32, i32
  }
  func.func @transform_1(%arg0: i32) -> (i32, i32, i32) {
    %c0_i32 = arith.constant 0 : i32
    %c0_i32_0 = arith.constant 0 : i32
    %c0_i32_1 = arith.constant 0 : i32
    return %c0_i32, %arg0, %c0_i32_0 : i32, i32, i32
  }
  func.func @transform_2(%arg0: i32) -> (i32, i32) {
    %c0_i32 = arith.constant 0 : i32
    %c0_i32_0 = arith.constant 0 : i32
    %c0_i32_1 = arith.constant 0 : i32
    return %c0_i32, %c0_i32_0 : i32, i32
  }
  func.func @transform_3(%arg0: i32) -> (i32, i32) {
    %c0_i32 = arith.constant 0 : i32
    %c0_i32_0 = arith.constant 0 : i32
    %c0_i32_1 = arith.constant 0 : i32
    return %c0_i32, %c0_i32_0 : i32, i32
  }
  func.func @transform_4(%arg0: i32) -> (i32, i32) {
    %c0_i32 = arith.constant 0 : i32
    %c0_i32_0 = arith.constant 0 : i32
    %c0_i32_1 = arith.constant 0 : i32
    return %c0_i32, %c0_i32_0 : i32, i32
  }
  func.func @transform_5(%arg0: i32) -> (i32, i32) {
    %c0_i32 = arith.constant 0 : i32
    %c0_i32_0 = arith.constant 0 : i32
    %c0_i32_1 = arith.constant 0 : i32
    return %c0_i32, %c0_i32_0 : i32, i32
  }
  func.func @transform_6(%arg0: i32) -> (i32, i32) {
    %c0_i32 = arith.constant 0 : i32
    %c0_i32_0 = arith.constant 0 : i32
    %c0_i32_1 = arith.constant 0 : i32
    return %c0_i32, %c0_i32_0 : i32, i32
  }
  func.func @transform_7(%arg0: i32) -> (i32, i32) {
    %c0_i32 = arith.constant 0 : i32
    %c0_i32_0 = arith.constant 0 : i32
    return %arg0, %c0_i32 : i32, i32
  }
  func.func @transform_8(%arg0: i32) -> (i32, i32) {
    %c0_i32 = arith.constant 0 : i32
    %c0_i32_0 = arith.constant 0 : i32
    return %arg0, %c0_i32 : i32, i32
  }
}

</mosaic_0001>

<sc_bundles>
// kernel: kernel.4.cloned.1.call-start
scs
__scs_entry_jumppad:
0x0: {  	(pc) =	sbr.rel $0x88, $3  }
0x1: {  	(tag) =	ssettag $0x0;
	lr =	simm.s32 $0x1  }
0x2: {  	[smem:$0x3F9A] =	sst lr;
	_ =	strace $0xD0000000  }
0x3: {  	_ = 	snop  }
0x4: {  	_ = 	snop  }
0x5: {  	_ = 	snop  }
0x6: {  	_ = 	snop  }
0x7: {  	_ = 	snop  }
__scs_overlays_trampoline_lowered:
0x8: {  	[smem:$0x3FA9] =	sst s0  }
0x9: {  	[smem:$0x3FAA] =	sst s1  }
0xa: {  	[smem:$0x3FAB] =	sst s2  }
0xb: {  	[smem:$0x3FAC] =	sst s3  }
0xc: {  	[smem:$0x3FAD] =	sst s4  }
0xd: {  	[smem:$0x3FAE] =	sst s5  }
0xe: {  	[smem:$0x3FAF] =	sst s6  }
0xf: {  	[smem:$0x3FB0] =	sst s7  }
0x10: {  	[smem:$0x3FB1] =	sst s8  }
0x11: {  	[smem:$0x3FB2] =	sst s9;
	s0 =	simm.s32 @!p0 $0x0  }
0x12: {  	s1 =	sld [smem:$0x3F98];
	s0 =	simm.s32 @p0 $0x1  }
0x13: {  	[smem:$0x3FB3] =	sst s0;
	s0 =	simm.s32 @!p1 $0x0  }
0x14: {  	s2 =	sld [smem:$0x3F97];
	s0 =	simm.s32 @p1 $0x1  }
0x15: {  	[smem:$0x3FB4] =	sst s0;
	s0 =	simm.s32 @!p2 $0x0  }
0x16: {  	s3 =	sld [smem:$0x3FDB];
	s0 =	simm.s32 @p2 $0x1  }
0x17: {  	s4 =	simm.s32 $0x1BF5;
	[smem:$0x3FB6] =	sst s0  }
0x18: {  	s0 =	sld [smem:$0x3F99];
	_ =	swait.ge [sflag:s4], $0x0  }
0x19: {  	s7 =	sld [smem:$0x3F9A]  }
0x1a: {  	s8 =	sadd.s32 $0xFFFFE003, lr  }
0x1b: {  	s9 =	sadd.s32 $0xFFFFFEF7, lr;
	s5 =	simm.s32 $0xFFFFFFFF;
	p2 =	slt.u32 s8, $0xFFFFF086  }
0x1c: {  	p1 =	slt.u32 s9, $0xF7A;
	s5 =	simm.s32 @!p2 $0x0  }
0x1d: {  	s5 =	simm.s32 @p1 $0x1;
	p0 =	seq.s32 s7, s2  }
0x1e: {  	s7 =	smul.u32 @!p0 $0xF7A, s2;
	p2 =	seq.s32 @!p0 s5, $0x0  }
0x1f: {  	s9 =	smul.u32 $0xF7A, s1;
	s8 =	simm.s32 @!p0 $0x1BF5;
	p2 =	por !p2, p0  }
0x20: {  	[sflag:s8] =	ssyncset.s32 @!p0 $0xFFFFF086;
	s6 =	sadd.s32 @!p0 s3, s7;
	s7 =	simm.s32 @!p0 $0x108  }
0x21: {  	s3 =	sadd.s32 s3, s9;
	s6 =	sadd.s32 @!p0 $0x88, s6;
	s7 =	simm.s32 @p2 $0x1082  }
0x22: {  	[simem:s7], [sflag:s8] =	dma.local @!p0 [hbm:s6], $0xF7A  }
0x23: {  	s9 =	sor.u32 $0xD0000000, s2;
	s6 =	simm.s32 $0x108;
	_ =	swait.ge @!p0 [sflag:s8], $0x0  }
0x24: {  	s3 =	sadd.s32 $0x88, s3;
	s6 =	simm.s32 @!p1 $0x1082;
	[sflag:s4] =	ssyncset.s32 $0xFFFFF086  }
0x25: {  	[simem:s6], [sflag:s4] =	dma.local [hbm:s3], $0xF7A  }
0x26: {  	[smem:$0x3F9A] =	sst s1;
	(tag) =	ssettag s2;
	_ =	strace s9  }
0x27: {  	s1 =	sld [smem:$0x3FAA]  }
0x28: {  	s2 =	sld [smem:$0x3FAB]  }
0x29: {  	s4 =	sld [smem:$0x3FAD]  }
0x2a: {  	p0 =	seq.s32 s5, $0x0;
	s5 =	sld [smem:$0x3FAE]  }
0x2b: {  	s6 =	sld [smem:$0x3FAF]  }
0x2c: {  	s7 =	sld [smem:$0x3FB0]  }
0x2d: {  	s3 =	simm.s32 $0x108;
	s8 =	sld [smem:$0x3FB1]  }
0x2e: {  	s3 =	simm.s32 @!p0 $0x1082;
	s9 =	sld [smem:$0x3FB2]  }
0x2f: {  	lr =	sadd.s32 s0, s3;
	s0 =	sld [smem:$0x3FA9]  }
0x30: {  	s3 =	sld [smem:$0x3FAC]  }
0x31: {  	[smem:$0x3FB5] =	sst s10  }
0x32: {  	s10 =	sld [smem:$0x3FB3];
	_ =	sdelay $0x3  }
0x33: {  	p0 =	seq.s32 s10, $0x1;
	s10 =	sld [smem:$0x3FB5];
	_ =	sdelay $0x3  }
0x34: {  	[smem:$0x3FB5] =	sst s10  }
0x35: {  	s10 =	sld [smem:$0x3FB4];
	_ =	sdelay $0x3  }
0x36: {  	p1 =	seq.s32 s10, $0x1;
	s10 =	sld [smem:$0x3FB5];
	_ =	sdelay $0x3  }
0x37: {  	[smem:$0x3FB5] =	sst s10  }
0x38: {  	s10 =	sld [smem:$0x3FB6]  }
0x39: {  	_ = 	snop;
	(pc) =	sbr.ind lr, $3  }
0x3a: {  	_ = 	snop  }
0x3b: {  	_ = 	snop  }
0x3c: {  	p2 =	seq.s32 s10, $0x1;
	s10 =	sld [smem:$0x3FB5]  }
0x3d: {  	_ =	shalt  }
0x3e: {  	_ =	shalt  }
0x3f: {  	_ =	shalt  }
0x40: {  	_ =	shalt  }
0x41: {  	_ =	shalt  }
0x42: {  	_ =	shalt  }
0x43: {  	_ =	shalt  }
0x44: {  	_ =	shalt  }
0x45: {  	_ =	shalt  }
0x46: {  	_ =	shalt  }
0x47: {  	_ =	shalt  }
0x48: {  	_ =	shalt  }
0x49: {  	_ =	shalt  }
0x4a: {  	_ =	shalt  }
0x4b: {  	_ =	shalt  }
0x4c: {  	_ =	shalt  }
0x4d: {  	_ =	shalt  }
0x4e: {  	_ =	shalt  }
0x4f: {  	_ =	shalt  }
0x50: {  	_ =	shalt  }
0x51: {  	_ =	shalt  }
0x52: {  	_ =	shalt  }
0x53: {  	_ =	shalt  }
0x54: {  	_ =	shalt  }
0x55: {  	_ =	shalt  }
0x56: {  	_ =	shalt  }
0x57: {  	_ =	shalt  }
0x58: {  	_ =	shalt  }
0x59: {  	_ =	shalt  }
0x5a: {  	_ =	shalt  }
0x5b: {  	_ =	shalt  }
0x5c: {  	_ =	shalt  }
0x5d: {  	_ =	shalt  }
0x5e: {  	_ =	shalt  }
0x5f: {  	_ =	shalt  }
0x60: {  	_ =	shalt  }
0x61: {  	_ =	shalt  }
0x62: {  	_ =	shalt  }
0x63: {  	_ =	shalt  }
0x64: {  	_ =	shalt  }
0x65: {  	_ =	shalt  }
0x66: {  	_ =	shalt  }
0x67: {  	_ =	shalt  }
0x68: {  	_ =	shalt  }
0x69: {  	_ =	shalt  }
0x6a: {  	_ =	shalt  }
0x6b: {  	_ =	shalt  }
0x6c: {  	_ =	shalt  }
0x6d: {  	_ =	shalt  }
0x6e: {  	_ =	shalt  }
0x6f: {  	_ =	shalt  }
0x70: {  	_ =	shalt  }
0x71: {  	_ =	shalt  }
0x72: {  	_ =	shalt  }
0x73: {  	_ =	shalt  }
0x74: {  	_ =	shalt  }
0x75: {  	_ =	shalt  }
0x76: {  	_ =	shalt  }
0x77: {  	_ =	shalt  }
0x78: {  	_ =	shalt  }
0x79: {  	_ =	shalt  }
0x7a: {  	_ =	shalt  }
0x7b: {  	_ =	shalt  }
0x7c: {  	_ =	shalt  }
0x7d: {  	_ =	shalt  }
0x7e: {  	_ =	shalt  }
0x7f: {  	_ =	shalt  }
0x80: {  	_ =	shalt  }
0x81: {  	_ =	shalt  }
0x82: {  	_ =	shalt  }
0x83: {  	_ =	shalt  }
0x84: {  	_ =	shalt  }
0x85: {  	_ =	shalt  }
0x86: {  	_ =	shalt  }
0x87: {  	_ =	shalt  }
.Lfunc_end0:
.L_simem_size_0:
called_computation_lowered:
.L_overlay_start_0:
0x88: {  	s2 =	sld [smem:$0x3FD9]  }
0x89: {  	s3 =	sld [smem:$0x3FFE];
	_ =	sdelay $0x1  }
0x8a: {  	s1 =	srdreg.scid  }
0x8b: {  	s0 =	sand.u32 $0x1, s1  }
0x8c: {  	s15 =	sshll.u32 s0, $0xA;
	s2 =	sadd.s32 s3, s2  }
0x8d: {  	s2 =	sadd.s32 s2, s15  }
0x8e: {  	[smem:$0x3FC1] =	sst s2  }
0x8f: {  	_ = 	snop  }
0x90: {  	s2 =	sld [smem:$0x3FD0];
	_ =	sdelay $0x2  }
0x91: {  	s4 =	simm.s32 $0xA;
	s5 =	simm.s32 $0x10;
	s16 =	sld [smem:$0x3FC8]  }
0x92: {  	[smem:s5], [sflag:s4] =	dma.local [hbm:s2], $0x1  }
0x93: {  	_ =	swait.eq [sflag:s4], $0x1  }
0x94: {  	[sflag:s4] =	ssyncset.done $0x0  }
0x95: {  	s17 =	sld [smem:$0x10];
	[sflag:s4] =	ssyncadd.s32 $0xFFFFFFFF  }
0x96: {  	s18 =	sld [smem:$0x11];
	(tm) =	ssettm $0x1  }
0x97: {  	s19 =	sld [smem:$0x3FFB];
	_ =	sdelay $0x3  }
0x98: {  	_ =	strace s19  }
0x99: {  	s5 =	sld [smem:$0x3FFC];
	_ =	sdelay $0x3  }
0x9a: {  	_ =	strace s5  }
0x9b: {  	s5 =	sld [smem:$0x3FFD];
	_ =	sdelay $0x3  }
0x9c: {  	_ =	strace s5  }
0x9d: {  	_ =	strace $0x8FFFFFFF  }
0x9e: {  	s20 =	sld [smem:$0x3FDB];
	_ =	sdelay $0x1  }
0x9f: {  	s6 =	simm.s32 $_scs_section_size  }
0xa0: {  	s7 =	simm.s32 $_size__tile_overlayer_lowered;
	s8 =	simm.s32 $_tile_overlayer_lowered  }
0xa1: {  	s23 =	simm.s32 $0x1BFF;
	s22 =	sshll.u32 s8, $0x1;
	s5 =	sadd.s32 s6, s20  }
0xa2: {  	s9 =	simm.s32 $0x0;
	s21 =	sshll.u32 s7, $0x1;
	s7 =	sadd.s32 s22, s5  }
0xa3: {  	[timem:s9], [sflag:s23] =	dma.local [hbm:s7], s21  }
0xa4: {  	_ =	swait.ge [sflag:s23], s21  }
0xa5: {  	s6 =	ssub.s32 $0x0, s21;
	[sflag:s23] =	ssyncset.done $0x0  }
0xa6: {  	[sflag:s23] =	ssyncadd.s32 s6;
	_ =	sdelay $0x1  }
0xa7: {  	s24 =	simm.s32 $0x1B8B  }
0xa8: {  	_ =	swait.ge [sflag:s24], $0x1  }
0xa9: {  	[sflag:s24] =	ssyncset.done $0x0  }
0xaa: {  	s25 =	simm.s32 $0x1B8E;
	[sflag:s24] =	ssyncadd.s32 $0xFFFFFFFF  }
0xab: {  	s26 =	simm.s32 $execute0_lowered;
	[smem:$0x3FD2] =	sst s25  }
0xac: {  	s6 =	sshll.u32 s26, $0x1;
	_ =	strace $0x80000046;
	[dreg:$0x1] =	wrdreg $0xFFFFFFFF  }
0xad: {  	s28 =	simm.s32 $_size_execute0_lowered;
	s5 =	sadd.s32 s5, s6;
	[dreg:$0x0] =	wrdreg $0x0  }
0xae: {  	s6 =	sshll.u32 s28, $0x1;
	[dreg:$0x2] =	wrdreg s5  }
0xaf: {  	[dreg:$0x3] =	wrdreg s6  }
0xb0: {  	[dreg:$0x4] =	wrdreg $0xC0  }
0xb1: {  	_ =	task [dreg:s9], $0x5FFFF  }
0xb2: {  	[dreg:$0x1] =	wrdreg $0xFFFFFFFF  }
0xb3: {  	[dreg:$0x0] =	wrdreg $0x60  }
0xb4: {  	[dreg:$0x2] =	wrdreg s17  }
0xb5: {  	[dreg:$0x3] =	wrdreg s16  }
0xb6: {  	[dreg:$0x4] =	wrdreg s18  }
0xb7: {  	[dreg:$0x5] =	wrdreg $0xB8000  }
0xb8: {  	[dreg:$0x6] =	wrdreg $0x9  }
0xb9: {  	_ =	task.clear_ibuf [dreg:s9], $0x7FFFF;
	_ =	strace $0x90000046  }
0xba: {  	s29 =	simm.s32 $0x9;
	_ =	strace $0x80000048  }
0xbb: {  	_ =	swait.ge [sflag:s29], $0x1  }
0xbc: {  	[sflag:s29] =	ssyncadd.s32 $0xFFFFFFFF  }
0xbd: {  	_ =	strace $0x90000048  }
0xbe: {  	_ =	sfence  }
0xbf: {  	s30 =	sld [smem:$0x0];
	_ =	sdelay $0x2  }
0xc0: {  	s31 =	sshll.u32 s1, $0xD;
	s1 =	sshrl.u32 s1, $0x2  }
0xc1: {  	s3 =	sand.u32 $0x4000, s31;
	s1 =	sadd.s32 s1, s30  }
0xc2: {  	s0 =	sor.u32 s3, s0;
	s1 =	sshll.u32 s1, $0x11  }
0xc3: {  	s0 =	sor.u32 s1, s0  }
0xc4: {  	s0 =	sadd.s32 $0x8F2B, s0  }
0xc5: {  	[sflag:s0] =	ssyncadd.remote.s32 $0x1  }
0xc6: {  	_ =	sfence.sel $0xFFFF  }
0xc7: {  	[dreg:$0x0] =	wrdreg $0xFFFFFFFF;
	(pc) =	sbr.abs _section_cstart, $3  }
0xc8: {  	[dreg:$0x1] =	wrdreg $0xFFFFFFFF  }
0xc9: {  	_ =	task.clear_ibuf [dreg:s9], $0x2FFFF;
	_ =	strace $0x9FFFFFFF  }
0xca: {  	(tm) =	ssettm $0x7FFFFFFF  }
0xcb: {  	_ =	shalt  }
tec
execute0_lowered:
.L_overlay_start_1:
0x0: {  	(tag) =	ssettag $0x1  }
0x1: {  	s0 =	rddreg [dreg:$0x0]  }
0x2: {  	s5 =	rddreg [dreg:$0x1]  }
0x3: {  	s1 =	srdreg.scid;
	s6 =	rddreg [dreg:$0x2]  }
0x4: {  	s12 =	stileid.u32;
	s2 =	rddreg [dreg:$0x3]  }
0x5: {  	s30 =	simm.s32 $0x6800;
	s31 =	simm.s32 $0x9000;
	s9 =	smul.u32 $0x4F000, s12  }
0x6: {  	s1 =	sand.u32 $0x1, s1;
	s22 =	smul.u32 $0x13C00, s12;
	p0 =	seq.s32 s12, $0xF  }
0x7: {  	s3 =	sshll.u32 s1, $0x4;
	s8 =	ssub.s32 $0x2, s1;
	s20 =	smul.u32 $0x138800, s1  }
0x8: {  	s1 =	smul.u32 $0x271000, s1;
	s7 =	sor.u32 s12, s3;
	s3 =	simm.s32 $0x0  }
0x9: {  	s10 =	sshrl.u32 s8, $0x1;
	s9 =	sshrl.u32 s9, $0x2;
	s4 =	smul.u32 $0x138800, s7  }
0xa: {  	[smem:$0x7FF] =	sst s3;
	s8 =	ssub.s32 s8, s10;
	s25 =	sshll.u32 s7, $0xB  }
0xb: {  	s23 =	smul.u32 $0x27100, s7;
	s24 =	sadd.s32 s22, s20;
	s22 =	sadd.s32 $0x134C00, s2  }
0xc: {  	s10 =	simm.s32 $0x0;
	_ =	strace $0x80000047;
	s4 =	sshrl.u32 s4, $0x3  }
0xd: {  	s0 =	sadd.s32 s0, s25;
	s7 =	sshrl.u32 s24, $0x3;
	s11 =	sadd.s32 s5, s4  }
0xe: {  	s25 =	smul.u32 $0x27100, s12;
	[dreg:$0xe] =	wrdreg s0;
	s26 =	sadd.s32 $0x500, s11  }
0xf: {  	s4 =	sadd.s32 s9, s2;
	s13 =	sadd.s32 $0xA00, s11;
	[dreg:$0x5] =	wrdreg s26  }
0x10: {  	s24 =	smax.u32 s8, $0x1;
	s14 =	sadd.s32 $0x2800, s4;
	[dreg:$0x6] =	wrdreg s13  }
0x11: {  	s8 =	simm.s32 $0x2;
	s15 =	sadd.s32 $0x5000, s4;
	[dreg:$0x7] =	wrdreg s14  }
0x12: {  	s9 =	sshrl.u32 s20, $0x3;
	s16 =	sadd.s32 $0x7800, s4;
	[dreg:$0x8] =	wrdreg s15  }
0x13: {  	s20 =	sadd.s32 s5, s23;
	s17 =	sadd.s32 $0xA000, s4;
	[dreg:$0x9] =	wrdreg s16  }
0x14: {  	s18 =	sadd.s32 $0xC800, s4;
	s19 =	sadd.s32 $0xF000, s4;
	[dreg:$0xa] =	wrdreg s17  }
0x15: {  	s21 =	sadd.s32 $0x11800, s4;
	s28 =	sadd.s32 $0x26700, s20;
	[dreg:$0xb] =	wrdreg s18  }
0x16: {  	s29 =	sadd.s32 $0x26C00, s20;
	[dreg:$0xc] =	wrdreg s19;
	s14 =	sadd.s32 $0x128400, s2  }
0x17: {  	[dreg:$0xd] =	wrdreg s21;
	s16 =	sadd.s32 $0x12AC00, s2;
	s17 =	sadd.s32 $0x12D400, s2  }
0x18: {  	s18 =	sadd.s32 $0x12FC00, s2;
	s19 =	sadd.s32 s6, s7;
	s6 =	sadd.s32 s6, s9  }
0x19: {  	s26 =	sadd.s32 s1, s5;
	s21 =	sadd.s32 $0x132400, s2;
	s1 =	simm.s32 $0x4000  }
0x1a: {  	s5 =	simm.s32 $0x1;
	s7 =	simm.s32 $0x5;
	s9 =	simm.s32 $0x3  }
0x1b: {  	s0 =	sadd.s32 s25, s26;
	s23 =	sadd.s32 $0x25080, s6;
	s26 =	sadd.s32 $0x137400, s2  }
0x1c: {  	v0 =	vimm.f32 $0.0e+00;
	s6 =	simm.s32 $0x50;
	s25 =	sadd.s32 $0xF00, s0;
	s0 =	simm.s32 $0x4  }
.LBB2_1:
0x1d: {  	s11 =	rddreg [dreg:$0xe]  }
0x1e: {  	[tilespmem:s3], [sflag:$0x4] =	stream.linear.gather [hbm4b:s11+s3], $0x3E80, $0x38;
	[tilespmem:$0x1F080] =	vst v63  }
0x1f: {  	s13 =	rddreg [dreg:$0x5]  }
0x20: {  	[tilespmem:s30], [sflag:$0x2] =	stream.linear.gather [hbm4b:s13+s3], $0x2800, $0x38;
	[tilespmem:$0x1F080] =	vst v63  }
0x21: {  	s15 =	rddreg [dreg:$0x6];
	s12 =	simm.s32 $0x200;
	s11 =	simm.s32 $0x0  }
0x22: {  	[tilespmem:s31], [sflag:$0x3] =	stream.linear.gather [hbm4b:s15+s3], $0x2800, $0x38;
	[tilespmem:$0x1F080] =	vst v63  }
.LBB2_2:
0x23: {  	p1 =	sne.s32 s12, $0x9E00;
	[tilespmem:s11+$0x4070] =	vst v0  }
0x24: {  	[tilespmem:s11+$0x4000] =	vst v0  }
0x25: {  	[tilespmem:s11+$0x4010] =	vst v0  }
.Ltmp0:
0x26: {  	[tilespmem:s11+$0x4020] =	vst v0;
	(pc) =	sbr.rel @p1 .LBB2_2-.Ltmp0, $4  }
0x27: {  	[tilespmem:s11+$0x4030] =	vst v0  }
0x28: {  	[tilespmem:s11+$0x4040] =	vst v0  }
0x29: {  	[tilespmem:s11+$0x4050] =	vst v0  }
0x2a: {  	[tilespmem:s11+$0x4060] =	vst v0;
	s11 =	sshra.s32 s12, $0x2;
	s12 =	sadd.s32 $0x200, s12  }
0x2b: {  	[tilespmem:s11+$0x4070] =	vst v0  }
0x2c: {  	[tilespmem:s11+$0x4000] =	vst v0  }
0x2d: {  	[tilespmem:s11+$0x4010] =	vst v0  }
0x2e: {  	[tilespmem:s11+$0x4020] =	vst v0  }
0x2f: {  	[tilespmem:s11+$0x4030] =	vst v0  }
0x30: {  	[tilespmem:s11+$0x4040] =	vst v0  }
0x31: {  	[tilespmem:s11+$0x4050] =	vst v0  }
0x32: {  	[tilespmem:s11+$0x4060] =	vst v0;
	s11 =	simm.s32 @p0 $0x4000;
	s12 =	simm.s32 @p0 $0x5  }
0x33: {  	[spmem:s14] =	stream.linear.scatter @p0 [tilespmem:s11], [sflag:$0x5], $0x2800, $0x38;
	[tilespmem:$0x1F080] =	vst v63  }
0x34: {  	_ =	swait.ge @p0 [sflag:s12], $0x2800  }
0x35: {  	[sflag:s12] =	ssyncset.done @p0 $0x0  }
0x36: {  	[sflag:s12] =	ssyncadd.s32 @p0 $0xFFFFD800  }
0x37: {  	[spmem:s16] =	stream.linear.scatter @p0 [tilespmem:s11], [sflag:$0x5], $0x2800, $0x38;
	[tilespmem:$0x1F080] =	vst v63  }
0x38: {  	_ =	swait.ge @p0 [sflag:s12], $0x2800  }
0x39: {  	[sflag:s12] =	ssyncset.done @p0 $0x0  }
0x3a: {  	[sflag:s12] =	ssyncadd.s32 @p0 $0xFFFFD800  }
0x3b: {  	[spmem:s17] =	stream.linear.scatter @p0 [tilespmem:s11], [sflag:$0x5], $0x2800, $0x38;
	[tilespmem:$0x1F080] =	vst v63  }
0x3c: {  	_ =	swait.ge @p0 [sflag:s12], $0x2800  }
0x3d: {  	[sflag:s12] =	ssyncset.done @p0 $0x0  }
0x3e: {  	[sflag:s12] =	ssyncadd.s32 @p0 $0xFFFFD800  }
0x3f: {  	[spmem:s18] =	stream.linear.scatter @p0 [tilespmem:s11], [sflag:$0x5], $0x2800, $0x38;
	[tilespmem:$0x1F080] =	vst v63  }
0x40: {  	_ =	swait.ge @p0 [sflag:s12], $0x2800  }
0x41: {  	[sflag:s12] =	ssyncset.done @p0 $0x0  }
0x42: {  	[sflag:s12] =	ssyncadd.s32 @p0 $0xFFFFD800  }
0x43: {  	[spmem:s21] =	stream.linear.scatter @p0 [tilespmem:s11], [sflag:$0x5], $0x2800, $0x38;
	[tilespmem:$0x1F080] =	vst v63  }
0x44: {  	_ =	swait.ge @p0 [sflag:s12], $0x2800  }
0x45: {  	[sflag:s12] =	ssyncset.done @p0 $0x0  }
0x46: {  	[sflag:s12] =	ssyncadd.s32 @p0 $0xFFFFD800  }
0x47: {  	[spmem:s22] =	stream.linear.scatter @p0 [tilespmem:s11], [sflag:$0x5], $0x2800, $0x38;
	[tilespmem:$0x1F080] =	vst v63  }
0x48: {  	_ =	swait.ge @p0 [sflag:s12], $0x2800  }
0x49: {  	[sflag:s12] =	ssyncset.done @p0 $0x0  }
0x4a: {  	[sflag:s12] =	ssyncadd.s32 @p0 $0xFFFFD800  }
0x4b: {  	[spmem:s26] =	stream.linear.scatter @p0 [tilespmem:s11], [sflag:$0x5], $0x1400, $0x38;
	[tilespmem:$0x1F080] =	vst v63  }
0x4c: {  	_ =	swait.ge @p0 [sflag:s12], $0x1400  }
0x4d: {  	[sflag:s12] =	ssyncset.done @p0 $0x0  }
0x4e: {  	s11 =	simm.s32 @!p0 $0x4000;
	[sflag:s12] =	ssyncadd.s32 @p0 $0xFFFFEC00;
	s12 =	simm.s32 @!p0 $0x5  }
0x4f: {  	[spmem:s4] =	stream.linear.scatter @!p0 [tilespmem:s11], [sflag:$0x5], $0x2800, $0x38;
	[tilespmem:$0x1F080] =	vst v63  }
0x50: {  	_ =	swait.ge @!p0 [sflag:s12], $0x2800  }
0x51: {  	[sflag:s12] =	ssyncset.done @!p0 $0x0  }
0x52: {  	s13 =	rddreg [dreg:$0x7];
	[sflag:s12] =	ssyncadd.s32 @!p0 $0xFFFFD800  }
0x53: {  	[spmem:s13] =	stream.linear.scatter @!p0 [tilespmem:s11], [sflag:$0x5], $0x2800, $0x38;
	[tilespmem:$0x1F080] =	vst v63  }
0x54: {  	_ =	swait.ge @!p0 [sflag:s12], $0x2800  }
0x55: {  	[sflag:s12] =	ssyncset.done @!p0 $0x0  }
0x56: {  	s13 =	rddreg [dreg:$0x8];
	[sflag:s12] =	ssyncadd.s32 @!p0 $0xFFFFD800  }
0x57: {  	[spmem:s13] =	stream.linear.scatter @!p0 [tilespmem:s11], [sflag:$0x5], $0x2800, $0x38;
	[tilespmem:$0x1F080] =	vst v63  }
0x58: {  	_ =	swait.ge @!p0 [sflag:s12], $0x2800  }
0x59: {  	[sflag:s12] =	ssyncset.done @!p0 $0x0  }
0x5a: {  	s13 =	rddreg [dreg:$0x9];
	[sflag:s12] =	ssyncadd.s32 @!p0 $0xFFFFD800  }
0x5b: {  	[spmem:s13] =	stream.linear.scatter @!p0 [tilespmem:s11], [sflag:$0x5], $0x2800, $0x38;
	[tilespmem:$0x1F080] =	vst v63  }
0x5c: {  	_ =	swait.ge @!p0 [sflag:s12], $0x2800  }
0x5d: {  	[sflag:s12] =	ssyncset.done @!p0 $0x0  }
0x5e: {  	s13 =	rddreg [dreg:$0xa];
	[sflag:s12] =	ssyncadd.s32 @!p0 $0xFFFFD800  }
0x5f: {  	[spmem:s13] =	stream.linear.scatter @!p0 [tilespmem:s11], [sflag:$0x5], $0x2800, $0x38;
	[tilespmem:$0x1F080] =	vst v63  }
0x60: {  	_ =	swait.ge @!p0 [sflag:s12], $0x2800  }
0x61: {  	[sflag:s12] =	ssyncset.done @!p0 $0x0  }
0x62: {  	s13 =	rddreg [dreg:$0xb];
	[sflag:s12] =	ssyncadd.s32 @!p0 $0xFFFFD800  }
0x63: {  	[spmem:s13] =	stream.linear.scatter @!p0 [tilespmem:s11], [sflag:$0x5], $0x2800, $0x38;
	[tilespmem:$0x1F080] =	vst v63  }
0x64: {  	_ =	swait.ge @!p0 [sflag:s12], $0x2800  }
0x65: {  	[sflag:s12] =	ssyncset.done @!p0 $0x0  }
0x66: {  	s13 =	rddreg [dreg:$0xc];
	[sflag:s12] =	ssyncadd.s32 @!p0 $0xFFFFD800  }
0x67: {  	[spmem:s13] =	stream.linear.scatter @!p0 [tilespmem:s11], [sflag:$0x5], $0x2800, $0x38;
	[tilespmem:$0x1F080] =	vst v63  }
0x68: {  	_ =	swait.ge @!p0 [sflag:s12], $0x2800  }
0x69: {  	[sflag:s12] =	ssyncset.done @!p0 $0x0  }
0x6a: {  	s13 =	rddreg [dreg:$0xd];
	[sflag:s12] =	ssyncadd.s32 @!p0 $0xFFFFD800  }
0x6b: {  	[spmem:s13] =	stream.linear.scatter @!p0 [tilespmem:s11], [sflag:$0x5], $0x2400, $0x38;
	[tilespmem:$0x1F080] =	vst v63  }
0x6c: {  	_ =	swait.ge @!p0 [sflag:s12], $0x2400  }
0x6d: {  	[sflag:s12] =	ssyncset.done @!p0 $0x0  }
0x6e: {  	s13 =	simm.s32 $0x0;
	[sflag:s12] =	ssyncadd.s32 @!p0 $0xFFFFDC00  }
0x6f: {  	[tilespmem:s1], [sflag:$0x1] =	stream.linear.gather [hbm4b:s20+s13], $0x2800, $0x38;
	[tilespmem:$0x1F080] =	vst v63  }
0x70: {  	_ =	swait.ge [sflag:s0], $0x3E80  }
0x71: {  	[sflag:s0] =	ssyncset.done $0x0  }
0x72: {  	[sflag:s0] =	ssyncadd.s32 $0xFFFFC180  }
0x73: {  	[bflag:$0x0] =	sbarrier.arrive $0xFFFF  }
0x74: {  	_ =	swait.ge [sflag:s5], $0x2800  }
0x75: {  	[sflag:s5] =	ssyncset.done $0x0  }
0x76: {  	s15 =	simm.s32 $0x0;
	[sflag:s5] =	ssyncadd.s32 $0xFFFFD800  }
0x77: {  	[spmem:s2] =	stream.indirect.scatter.add.f32 [tilespmem:s1], [sflag:$0x5], $0x80, s15, s6, $0xb8;
	[tilespmem:$0x1F080] =	vst v63  }
0x78: {  	_ =	swait.ge [sflag:s7], $0x2800  }
0x79: {  	[sflag:s7] =	ssyncset.done $0x0  }
0x7a: {  	[sflag:s7] =	ssyncadd.s32 $0xFFFFD800  }
0x7b: {  	[tilespmem:s1], [sflag:$0x1] =	stream.linear.gather [hbm4b:s25+s3], $0x2800, $0x38;
	[tilespmem:$0x1F080] =	vst v63  }
0x7c: {  	_ =	swait.ge [sflag:s8], $0x2800  }
0x7d: {  	[sflag:s8] =	ssyncset.done $0x0  }
0x7e: {  	s12 =	simm.s32 $0x80;
	[sflag:s8] =	ssyncadd.s32 $0xFFFFD800  }
0x7f: {  	[spmem:s2] =	stream.indirect.scatter.add.f32 [tilespmem:s30], [sflag:$0x5], $0x80, s12, s6, $0xb8;
	[tilespmem:$0x1F080] =	vst v63  }
0x80: {  	_ =	swait.ge [sflag:s7], $0x2800  }
0x81: {  	[sflag:s7] =	ssyncset.done $0x0  }
0x82: {  	s13 =	sadd.s32 $0x500, s25;
	[sflag:s7] =	ssyncadd.s32 $0xFFFFD800  }
0x83: {  	[tilespmem:s30], [sflag:$0x2] =	stream.linear.gather [hbm4b:s13+s3], $0x2800, $0x38;
	[tilespmem:$0x1F080] =	vst v63  }
0x84: {  	_ =	swait.ge [sflag:s9], $0x2800  }
0x85: {  	[sflag:s9] =	ssyncset.done $0x0  }
0x86: {  	s15 =	simm.s32 $0x100;
	[sflag:s9] =	ssyncadd.s32 $0xFFFFD800  }
0x87: {  	[spmem:s2] =	stream.indirect.scatter.add.f32 [tilespmem:s31], [sflag:$0x5], $0x80, s15, s6, $0xb8;
	[tilespmem:$0x1F080] =	vst v63  }
0x88: {  	_ =	swait.ge [sflag:s7], $0x2800  }
0x89: {  	s11 =	simm.s32 $0x600;
	[sflag:s7] =	ssyncset.done $0x0  }
0x8a: {  	s12 =	sadd.s32 $0xF00, s25;
	s13 =	sadd.s32 $0xA00, s25;
	[sflag:s7] =	ssyncadd.s32 $0xFFFFD800  }
.LBB2_4:
0x8b: {  	[tilespmem:s31], [sflag:$0x3] =	stream.linear.gather [hbm4b:s13+s3], $0x2800, $0x38;
	[tilespmem:$0x1F080] =	vst v63  }
0x8c: {  	s13 =	smov.u32 s11;
	s11 =	sadd.s32 $0x600, s11;
	_ =	swait.ge [sflag:s5], $0x2800  }
0x8d: {  	p1 =	sne.s32 s11, $0xF000;
	[sflag:s5] =	ssyncset.done $0x0  }
0x8e: {  	s13 =	sshra.s32 s13, $0x2;
	[sflag:s5] =	ssyncadd.s32 $0xFFFFD800  }
0x8f: {  	[spmem:s2] =	stream.indirect.scatter.add.f32 [tilespmem:s1], [sflag:$0x5], $0x80, s13, s6, $0xb8;
	[tilespmem:$0x1F080] =	vst v63  }
0x90: {  	_ =	swait.ge [sflag:s7], $0x2800  }
0x91: {  	[sflag:s7] =	ssyncset.done $0x0  }
0x92: {  	[sflag:s7] =	ssyncadd.s32 $0xFFFFD800  }
0x93: {  	[tilespmem:s1], [sflag:$0x1] =	stream.linear.gather [hbm4b:s12+s3], $0x2800, $0x38;
	[tilespmem:$0x1F080] =	vst v63  }
0x94: {  	_ =	swait.ge [sflag:s8], $0x2800  }
0x95: {  	[sflag:s8] =	ssyncset.done $0x0  }
0x96: {  	s15 =	sadd.s32 $0x80, s13;
	[sflag:s8] =	ssyncadd.s32 $0xFFFFD800  }
0x97: {  	[spmem:s2] =	stream.indirect.scatter.add.f32 [tilespmem:s30], [sflag:$0x5], $0x80, s15, s6, $0xb8;
	[tilespmem:$0x1F080] =	vst v63  }
0x98: {  	_ =	swait.ge [sflag:s7], $0x2800  }
0x99: {  	[sflag:s7] =	ssyncset.done $0x0  }
0x9a: {  	s15 =	sadd.s32 $0x500, s12;
	[sflag:s7] =	ssyncadd.s32 $0xFFFFD800  }
0x9b: {  	[tilespmem:s30], [sflag:$0x2] =	stream.linear.gather [hbm4b:s15+s3], $0x2800, $0x38;
	[tilespmem:$0x1F080] =	vst v63  }
0x9c: {  	_ =	swait.ge [sflag:s9], $0x2800  }
0x9d: {  	[sflag:s9] =	ssyncset.done $0x0  }
.Ltmp1:
0x9e: {  	s13 =	sadd.s32 $0x100, s13;
	[sflag:s9] =	ssyncadd.s32 $0xFFFFD800;
	(pc) =	sbr.rel @p1 .LBB2_4-.Ltmp1, $4  }
0x9f: {  	[spmem:s2] =	stream.indirect.scatter.add.f32 [tilespmem:s31], [sflag:$0x5], $0x80, s13, s6, $0xb8;
	[tilespmem:$0x1F080] =	vst v63  }
0xa0: {  	_ =	swait.ge [sflag:s7], $0x2800  }
0xa1: {  	[sflag:s7] =	ssyncset.done $0x0  }
0xa2: {  	s13 =	sadd.s32 $0xA00, s12;
	s12 =	sadd.s32 $0xF00, s12;
	[sflag:s7] =	ssyncadd.s32 $0xFFFFD800  }
0xa3: {  	[tilespmem:s31], [sflag:$0x3] =	stream.linear.gather [hbm4b:s13+s3], $0x2800, $0x38;
	[tilespmem:$0x1F080] =	vst v63  }
0xa4: {  	_ =	swait.ge [sflag:s5], $0x2800  }
0xa5: {  	[sflag:s5] =	ssyncset.done $0x0  }
0xa6: {  	s11 =	sshra.s32 s11, $0x2;
	[sflag:s5] =	ssyncadd.s32 $0xFFFFD800  }
0xa7: {  	[spmem:s2] =	stream.indirect.scatter.add.f32 [tilespmem:s1], [sflag:$0x5], $0x80, s11, s6, $0xb8;
	[tilespmem:$0x1F080] =	vst v63  }
0xa8: {  	_ =	swait.ge [sflag:s7], $0x2800  }
0xa9: {  	[sflag:s7] =	ssyncset.done $0x0  }
0xaa: {  	[sflag:s7] =	ssyncadd.s32 $0xFFFFD800  }
0xab: {  	[tilespmem:s1], [sflag:$0x1] =	stream.linear.gather [hbm4b:s28+s3], $0x2800, $0x38;
	[tilespmem:$0x1F080] =	vst v63  }
0xac: {  	_ =	swait.ge [sflag:s8], $0x2800  }
0xad: {  	[sflag:s8] =	ssyncset.done $0x0  }
0xae: {  	s12 =	sadd.s32 $0x80, s11;
	[sflag:s8] =	ssyncadd.s32 $0xFFFFD800  }
0xaf: {  	[spmem:s2] =	stream.indirect.scatter.add.f32 [tilespmem:s30], [sflag:$0x5], $0x80, s12, s6, $0xb8;
	[tilespmem:$0x1F080] =	vst v63  }
0xb0: {  	_ =	swait.ge [sflag:s7], $0x2800  }
0xb1: {  	[sflag:s7] =	ssyncset.done $0x0  }
0xb2: {  	[sflag:s7] =	ssyncadd.s32 $0xFFFFD800  }
0xb3: {  	[tilespmem:s30], [sflag:$0x2] =	stream.linear.gather [hbm4b:s29+s3], $0x2800, $0x38;
	[tilespmem:$0x1F080] =	vst v63  }
0xb4: {  	_ =	swait.ge [sflag:s9], $0x2800  }
0xb5: {  	[sflag:s9] =	ssyncset.done $0x0  }
0xb6: {  	s11 =	sadd.s32 $0x100, s11;
	[sflag:s9] =	ssyncadd.s32 $0xFFFFD800  }
0xb7: {  	[spmem:s2] =	stream.indirect.scatter.add.f32 [tilespmem:s31], [sflag:$0x5], $0x80, s11, s6, $0xb8;
	[tilespmem:$0x1F080] =	vst v63  }
0xb8: {  	_ =	swait.ge [sflag:s7], $0x2800  }
0xb9: {  	[sflag:s7] =	ssyncset.done $0x0  }
0xba: {  	[sflag:s7] =	ssyncadd.s32 $0xFFFFD800  }
0xbb: {  	_ =	swait.ge [sflag:s5], $0x2800  }
0xbc: {  	[sflag:s5] =	ssyncset.done $0x0  }
0xbd: {  	s13 =	simm.s32 $0x3D80;
	[sflag:s5] =	ssyncadd.s32 $0xFFFFD800  }
0xbe: {  	[spmem:s2] =	stream.indirect.scatter.add.f32 [tilespmem:s1], [sflag:$0x5], $0x80, s13, s6, $0xb8;
	[tilespmem:$0x1F080] =	vst v63  }
0xbf: {  	_ =	swait.ge [sflag:s7], $0x2800  }
0xc0: {  	[sflag:s7] =	ssyncset.done $0x0  }
0xc1: {  	[sflag:s7] =	ssyncadd.s32 $0xFFFFD800  }
0xc2: {  	_ =	swait.ge [sflag:s8], $0x2800  }
0xc3: {  	[sflag:s8] =	ssyncset.done $0x0  }
0xc4: {  	s15 =	simm.s32 $0x3E00;
	[sflag:s8] =	ssyncadd.s32 $0xFFFFD800  }
0xc5: {  	[spmem:s2] =	stream.indirect.scatter.add.f32 [tilespmem:s30], [sflag:$0x5], $0x80, s15, s6, $0xb8;
	[tilespmem:$0x1F080] =	vst v63  }
0xc6: {  	_ =	swait.ge [sflag:s7], $0x2800  }
0xc7: {  	[sflag:s7] =	ssyncset.done $0x0  }
0xc8: {  	[sflag:s7] =	ssyncadd.s32 $0xFFFFD800  }
0xc9: {  	s12 =	simm.s32 @p0 $0x1FC5;
	s11 =	sshrl.u32 @p0 s14, $0x3;
	[bflag:$0x0] =	sbarrier.arrive $0xFFFF  }
0xca: {  	[hbm:s23], [sflag:s12] =	dma.local @p0 [spmem:s11], $0x2080  }
0xcb: {  	s11 =	simm.s32 @p0 $0x5  }
0xcc: {  	s10 =	sadd.s32 $0x1, s10;
	s12 =	stileid.u32;
	_ =	swait.ge @p0 [sflag:s11], $0x2080  }
0xcd: {  	p1 =	sne.s32 s10, s24;
	s12 =	sshll.u32 @!p0 s12, $0x6;
	[sflag:s11] =	ssyncset.done @p0 $0x0  }
0xce: {  	[sflag:s11] =	ssyncadd.s32 @p0 $0xFFFFDF80;
	s11 =	sor.u32 @!p0 $0x1C05, s12;
	s12 =	sshrl.u32 @!p0 s4, $0x3  }
0xcf: {  	[hbm:s19], [sflag:s11] =	dma.local @!p0 [spmem:s12], $0x2780  }
.Ltmp2:
0xd0: {  	_ = 	snop;
	(pc) =	sbr.rel @p1 .LBB2_1-.Ltmp2, $4  }
0xd1: {  	s11 =	simm.s32 @!p0 $0x5  }
0xd2: {  	_ =	swait.ge @!p0 [sflag:s11], $0x2780  }
0xd3: {  	[sflag:s11] =	ssyncset.done @!p0 $0x0  }
0xd4: {  	[sflag:s11] =	ssyncadd.s32 @!p0 $0xFFFFD880  }
0xd5: {  	_ =	sfence.sel $0x180000  }
0xd6: {  	[bflag:$0x0] =	sbarrier.arrive $0xFFFF  }
0xd7: {  	_ =	strace $0x90000047  }
0xd8: {  	s0 =	stileid.u32;
	[bflag:$0x2] =	sbarrier.arrive $0xFFFF  }
0xd9: {  	p0 =	sne.s32 s0, $0x0;
	s0 =	rddreg [dreg:$0x4]  }
0xda: {  	s0 =	sadd.s32 @!p0 $0x100000, s0  }
0xdb: {  	[sflag:s0] =	ssyncadd.tile.s32 @!p0 $0x1;
	_ =	shalt  }
.Lfunc_end2:
_tile_overlayer_lowered:
.L_overlay_start_2:
0xdc: {  	(tag) =	ssettag $0x2  }
0xdd: {  	s0 =	rddreg [dreg:$0x0];
	s2 =	stileid.u32  }
0xde: {  	s1 =	rddreg [dreg:$0x1];
	p0 =	sne.s32 s2, $0x0  }
0xdf: {  	s3 =	rddreg [dreg:$0x2];
	[bflag:$0x3] =	sbarrier.arrive $0xFFFF;
	s2 =	simm.s32 @!p0 $0x1C05  }
0xe0: {  	[timem:s3], [sflag:s2] =	dma.local @!p0 [hbm:s0], s1  }
0xe1: {  	s0 =	simm.s32 @!p0 $0x5  }
0xe2: {  	_ =	swait.ge @!p0 [sflag:s0], s1  }
0xe3: {  	s1 =	ssub.s32 @!p0 $0x0, s1;
	[sflag:s0] =	ssyncset.done @!p0 $0x0  }
0xe4: {  	[sflag:s0] =	ssyncadd.s32 @!p0 s1  }
0xe5: {  	[bflag:$0x3] =	sbarrier.arrive $0xFFFF  }
0xe6: {  	_ =	shalt  }

</sc_bundles>
